<compile_context>
chip_gen: v7x
topology: tpu7x:2x2x1
jax: 0.10.2.dev20260603
libtpu: 0.0.44.dev20260713+nightly
codegen_flags: <defaults>
</compile_context>

<pallas_src>
import functools

import jax
import jax.numpy as jnp
from jax import lax
from jax.experimental import pallas as pl
from jax.experimental.pallas import tpu as pltpu
from jax.experimental.pallas import tpu_sc as plsc

E = 64
H = 1024
F = 256
T = 512
P = 2 * T
BLK = 32
NBLK = 96
PADROWS = NBLK * BLK
QCHUNK = 512
NQ = PADROWS // QCHUNK


def _router_meta_body(flat_ref, wg_ref, logits_ref, se_ref, pos0_ref, pos1_ref,
                      xs_ref, sw_ref, posr0_ref, posr1_ref, wr0_ref, wr1_ref):
    c = pl.program_id(0)

    @pl.when(c == 0)
    def _():
        flat = flat_ref[...]
        wg = wg_ref[...]
        logits = lax.dot_general(flat, wg, (((1,), (1,)), ((), ())),
                                 preferred_element_type=jnp.float32)
        logits_ref[...] = logits
        m = jnp.max(logits, axis=1, keepdims=True)
        ex = jnp.exp(logits - m)
        probs = ex / jnp.sum(ex, axis=1, keepdims=True)
        eiota = lax.broadcasted_iota(jnp.int32, (T, E), 1).astype(jnp.float32)
        m1 = jnp.max(probs, axis=1, keepdims=True)
        idx1 = jnp.min(jnp.where(probs == m1, eiota, float(E)), axis=1,
                       keepdims=True)
        oh1 = (eiota == idx1).astype(jnp.float32)
        probs2 = jnp.where(oh1 > 0.0, -1.0, probs)
        m2 = jnp.max(probs2, axis=1, keepdims=True)
        idx2 = jnp.min(jnp.where(probs2 == m2, eiota, float(E)), axis=1,
                       keepdims=True)
        oh2 = (eiota == idx2).astype(jnp.float32)
        denom = m1 + m2
        w1 = m1 / denom
        w2 = m2 / denom
        O = jnp.concatenate([oh1, oh2], axis=0)
        wv = jnp.concatenate([w1, w2], axis=0)
        counts = jnp.sum(O, axis=0, keepdims=True)
        nb = jnp.floor((counts + float(BLK - 1)) * (1.0 / BLK))
        er = lax.broadcasted_iota(jnp.int32, (E, E), 0).astype(jnp.float32)
        ec = lax.broadcasted_iota(jnp.int32, (E, E), 1).astype(jnp.float32)
        ustrict = (er < ec).astype(jnp.float32)
        nb8 = jnp.broadcast_to(nb, (8, E))
        blk8 = lax.dot_general(nb8, ustrict, (((1,), (0,)), ((), ())))
        blk_off = blk8[0:1]
        ends = blk_off + nb
        sio = lax.broadcasted_iota(jnp.int32, (NBLK, E), 0).astype(jnp.float32)
        done = (jnp.broadcast_to(ends, (NBLK, E)) <= sio).astype(jnp.float32)
        se = jnp.sum(done, axis=1, keepdims=True)
        se_ref[...] = jnp.minimum(se, float(E - 1)).astype(jnp.int32)
        pr = lax.broadcasted_iota(jnp.int32, (P, P), 0).astype(jnp.float32)
        pc = lax.broadcasted_iota(jnp.int32, (P, P), 1).astype(jnp.float32)
        lincl = (pr >= pc).astype(jnp.float32)
        csum = lax.dot_general(lincl, O, (((1,), (0,)), ((), ())))
        off = blk_off * float(BLK)
        pos_pe = O * (csum - 1.0 + jnp.broadcast_to(off, (P, E)))
        posall = jnp.sum(pos_pe, axis=1, keepdims=True)
        pos0_ref[...] = posall[:T].astype(jnp.int32)
        pos1_ref[...] = posall[T:].astype(jnp.int32)
        pio = lax.broadcasted_iota(jnp.int32, (P, T), 0)
        tio2 = lax.broadcasted_iota(jnp.int32, (P, T), 1)
        sel0 = (pio == tio2).astype(jnp.float32)
        sel1 = ((pio - T) == tio2).astype(jnp.float32)
        dnum = (((0,), (0,)), ((), ()))
        hi = lax.Precision.HIGHEST
        posr0_ref[...] = lax.dot_general(posall, sel0, dnum, precision=hi)
        posr1_ref[...] = lax.dot_general(posall, sel1, dnum, precision=hi)
        wr0_ref[...] = lax.dot_general(wv, sel0, dnum, precision=hi)
        wr1_ref[...] = lax.dot_general(wv, sel1, dnum, precision=hi)

    p0 = jnp.broadcast_to(posr0_ref[...], (QCHUNK, T))
    p1 = jnp.broadcast_to(posr1_ref[...], (QCHUNK, T))
    qbase = (c * QCHUNK).astype(jnp.float32)
    qio = lax.broadcasted_iota(jnp.int32, (QCHUNK, T), 0).astype(jnp.float32)
    qio = qio + qbase
    g0 = (qio == p0).astype(jnp.float32)
    g1 = (qio == p1).astype(jnp.float32)
    xs_ref[...] = lax.dot_general(g0 + g1, flat_ref[...],
                                  (((1,), (0,)), ((), ())),
                                  preferred_element_type=jnp.float32)
    w0 = jnp.broadcast_to(wr0_ref[...], (QCHUNK, T))
    w1 = jnp.broadcast_to(wr1_ref[...], (QCHUNK, T))
    sw_ref[...] = jnp.sum(g0 * w0 + g1 * w1, axis=1, keepdims=True)


def _run_router_meta(flat, wg):
    return pl.pallas_call(
        _router_meta_body,
        grid=(NQ,),
        in_specs=[
            pl.BlockSpec((T, H), lambda c: (0, 0)),
            pl.BlockSpec((E, H), lambda c: (0, 0)),
        ],
        out_specs=[
            pl.BlockSpec((T, E), lambda c: (0, 0)),
            pl.BlockSpec((NBLK, 1), lambda c: (0, 0)),
            pl.BlockSpec((T, 1), lambda c: (0, 0)),
            pl.BlockSpec((T, 1), lambda c: (0, 0)),
            pl.BlockSpec((QCHUNK, H), lambda c: (c, 0)),
            pl.BlockSpec((QCHUNK, 1), lambda c: (c, 0)),
        ],
        out_shape=[
            jax.ShapeDtypeStruct((T, E), jnp.float32),
            jax.ShapeDtypeStruct((NBLK, 1), jnp.int32),
            jax.ShapeDtypeStruct((T, 1), jnp.int32),
            jax.ShapeDtypeStruct((T, 1), jnp.int32),
            jax.ShapeDtypeStruct((PADROWS, H), jnp.float32),
            jax.ShapeDtypeStruct((PADROWS, 1), jnp.float32),
        ],
        scratch_shapes=[
            pltpu.VMEM((1, T), jnp.float32),
            pltpu.VMEM((1, T), jnp.float32),
            pltpu.VMEM((1, T), jnp.float32),
            pltpu.VMEM((1, T), jnp.float32),
        ],
    )(flat, wg)


_NCORE = 2
_NSUB = 16
_NLANE = 16
_NW = _NCORE * _NSUB
_CTOK = T // _NW


def _mlp_body(se_ref, xs_ref, gw_ref, uw_ref, dw_ref, sw_ref, y_ref):
    x = xs_ref[...]
    gw = gw_ref[0]
    uw = uw_ref[0]
    dw = dw_ref[0]
    g = lax.dot_general(x, gw, (((1,), (1,)), ((), ())),
                        preferred_element_type=jnp.float32)
    u = lax.dot_general(x, uw, (((1,), (1,)), ((), ())),
                        preferred_element_type=jnp.float32)
    act = (g / (1.0 + jnp.exp(-g))) * u * sw_ref[...]
    y_ref[...] = lax.dot_general(act, dw, (((1,), (1,)), ((), ())),
                                 preferred_element_type=jnp.float32)


def _run_mlp(se, xs, gate_w, up_w, down_w, sw):
    grid_spec = pltpu.PrefetchScalarGridSpec(
        num_scalar_prefetch=1,
        grid=(NBLK,),
        in_specs=[
            pl.BlockSpec((BLK, H), lambda s, se: (s, 0)),
            pl.BlockSpec((1, F, H), lambda s, se: (se[s], 0, 0)),
            pl.BlockSpec((1, F, H), lambda s, se: (se[s], 0, 0)),
            pl.BlockSpec((1, H, F), lambda s, se: (se[s], 0, 0)),
            pl.BlockSpec((BLK, 1), lambda s, se: (s, 0)),
        ],
        out_specs=pl.BlockSpec((BLK, H), lambda s, se: (s, 0)),
    )
    return pl.pallas_call(
        _mlp_body,
        grid_spec=grid_spec,
        out_shape=jax.ShapeDtypeStruct((PADROWS, H), jnp.float32),
    )(se, xs, gate_w, up_w, down_w, sw)


def _sc_combine_body(ys_hbm, pos0_hbm, pos1_hbm, out_hbm,
                     i0_v, i1_v, a_v, b_v, sem0, sem1):
    wid = lax.axis_index("s") * _NCORE + lax.axis_index("c")
    base = wid * _CTOK
    pltpu.sync_copy(pos0_hbm.at[pl.ds(base, _CTOK)], i0_v)
    pltpu.sync_copy(pos1_hbm.at[pl.ds(base, _CTOK)], i1_v)
    cp_a = pltpu.async_copy(ys_hbm.at[i0_v], a_v, sem0)
    cp_b = pltpu.async_copy(ys_hbm.at[i1_v], b_v, sem1)
    cp_a.wait()
    cp_b.wait()
    nlane = _NLANE
    for t in range(_CTOK):
        def add_chunk(j, _, t=t):
            s = j * nlane
            a_v[t, pl.ds(s, nlane)] = (a_v[t, pl.ds(s, nlane)]
                                       + b_v[t, pl.ds(s, nlane)])
            return 0
        lax.fori_loop(0, H // nlane, add_chunk, 0)
    pltpu.sync_copy(a_v, out_hbm.at[pl.ds(base, _CTOK)])


def _run_combine(ys, pos0, pos1):
    fn = functools.partial(
        pl.kernel,
        mesh=plsc.VectorSubcoreMesh(core_axis_name="c", subcore_axis_name="s"),
        out_type=jax.ShapeDtypeStruct((T, H), jnp.float32),
        scratch_types=[
            pltpu.VMEM((_CTOK,), jnp.int32),
            pltpu.VMEM((_CTOK,), jnp.int32),
            pltpu.VMEM((_CTOK, H), jnp.float32),
            pltpu.VMEM((_CTOK, H), jnp.float32),
            pltpu.SemaphoreType.DMA,
            pltpu.SemaphoreType.DMA,
        ],
    )(_sc_combine_body)
    return fn(ys, pos0, pos1)


def kernel(hidden_states, Wg, gate_w, up_w, down_w):
    orig_shape = hidden_states.shape
    flat = hidden_states.reshape(T, H)
    logits, se, pos0, pos1, xs, sw = _run_router_meta(flat, Wg)
    ys = _run_mlp(se.reshape(NBLK), xs, gate_w, up_w, down_w, sw)
    out = _run_combine(ys, pos0.reshape(T), pos1.reshape(T))
    return out.reshape(orig_shape), logits

# --- scband reference (transcript-rebuilt; emitter-appended) ---
"""Pipeline reference for scband-sparse-mo-eblock-12412455485618 (READ-ONLY COPY).

The authoritative reference and input builder live on the scoring server;
editing this copy changes nothing except your own understanding.
"""

import jax, jax.numpy as jnp
import numpy as np

NUM_EXPERTS = 64
TOP_K = 2
HIDDEN = 1024
FFN = 256


def setup_inputs(seed: int = 0) -> dict:
    key = jax.random.key(seed)
    ks = jax.random.split(key, 5)
    hidden_states = jax.random.normal(ks[0], (64, 8, HIDDEN), dtype=jnp.float32)
    Wg = jax.random.normal(ks[1], (NUM_EXPERTS, HIDDEN), dtype=jnp.float32) * 0.02
    gate_w = jax.random.normal(ks[2], (NUM_EXPERTS, FFN, HIDDEN), dtype=jnp.float32) * 0.02
    up_w = jax.random.normal(ks[3], (NUM_EXPERTS, FFN, HIDDEN), dtype=jnp.float32) * 0.02
    down_w = jax.random.normal(ks[4], (NUM_EXPERTS, HIDDEN, FFN), dtype=jnp.float32) * 0.02
    return {"hidden_states": hidden_states, "Wg": Wg, "gate_w": gate_w, "up_w": up_w, "down_w": down_w}


def reference(hidden_states, Wg, gate_w, up_w, down_w):
    original_shape = hidden_states.shape
    h = original_shape[-1]
    flat = hidden_states.reshape(-1, h)  # [T, H]
    # replicated gate linear (no bias)
    router_logits = flat @ Wg.T  # [T, E]
    # trivial top-k router: softmax scoring then top-k, renormalize
    probs = jax.nn.softmax(router_logits, axis=-1)
    topk_weights, topk_ids = jax.lax.top_k(probs, TOP_K)  # [T, K]
    topk_weights = topk_weights / jnp.sum(topk_weights, axis=-1, keepdims=True)
    topk_weights = topk_weights.astype(flat.dtype)
    # combine weights per (token, expert): equivalent to one_hot mask + index_add
    combine = jnp.sum(jax.nn.one_hot(topk_ids, NUM_EXPERTS, dtype=flat.dtype) * topk_weights[..., None], axis=1)  # [T, E]
    # expert MLPs (SiLU-and-mul gated), computed densely and masked by combine weights;
    # tokens with zero routing weight contribute exactly zero (same math as sparse loop)
    gate_all = jnp.einsum('th,efh->tef', flat, gate_w)  # [T, E, F]
    up_all = jnp.einsum('th,efh->tef', flat, up_w)      # [T, E, F]
    act = jax.nn.silu(gate_all) * up_all                 # SiluAndMul
    out_all = jnp.einsum('tef,ehf->teh', act, down_w)   # [T, E, H]
    final = jnp.einsum('te,teh->th', combine, out_all)  # [T, H]
    return final.reshape(original_shape), router_logits

if __name__ == "__main__":
    import jax
    _d = setup_inputs()
    print(jax.jit(kernel)(*tuple(_d.values())))

</pallas_src>

<mosaic_0001>
#map = affine_map<(d0, d1) -> (0, 0)>
#map1 = affine_map<(d0, d1) -> (0)>
module attributes {stable_mosaic.version = 14 : i64} {
  func.func @_sc_combine_body(%arg0: i32, %arg1: i32, %arg2: memref<3072x1024xf32, #tpu.memory_space<hbm>>, %arg3: memref<512xi32, #tpu.memory_space<hbm>>, %arg4: memref<512xi32, #tpu.memory_space<hbm>>, %arg5: memref<512x1024xf32, #tpu.memory_space<hbm>>, %arg6: memref<16xi32, #tpu.memory_space<vmem>>, %arg7: memref<16xi32, #tpu.memory_space<vmem>>, %arg8: memref<16x1024xf32, #tpu.memory_space<vmem>>, %arg9: memref<16x1024xf32, #tpu.memory_space<vmem>>, %arg10: memref<!tpu.dma_semaphore, #tpu.memory_space<semaphore_mem>>, %arg11: memref<!tpu.dma_semaphore, #tpu.memory_space<semaphore_mem>>) attributes {dimension_semantics = [#tpu.dimension_semantics<core_parallel>, #tpu.dimension_semantics<subcore_parallel>], iteration_bounds = array<i64: 2, 16>, scalar_prefetch = 0 : i64, scratch_operands = 6 : i64, tpu.core_type = #tpu.core_type<sc_vector_subcore>, window_params = [{transform_indices = #map}, {transform_indices = #map1}, {transform_indices = #map1}, {transform_indices = #map}]} {
    %mul3A = arith.constant 2 : i32
    %mul3A_0 = arith.muli %arg1, %mul3A : i32
    %add3A = arith.addi %mul3A_0, %arg0 : i32
    %mul3A_1 = arith.constant 16 : i32
    %mul3A_2 = arith.muli %add3A, %mul3A_1 : i32
    "tpu.region"() ({
      %run_scoped3A = tpu.sem_alloc : memref<!tpu.dma_semaphore, #tpu.memory_space<semaphore_mem>>
      %dma_start3A_124 = tpu.memref_slice %arg3[%mul3A_2] : memref<512xi32, #tpu.memory_space<hbm>> -> memref<16xi32, #tpu.memory_space<hbm>>
      %dma_start3A_125 = tpu.memref_slice %arg3[%mul3A_2] : memref<512xi32, #tpu.memory_space<hbm>> -> memref<16xi32, #tpu.memory_space<hbm>>
      tpu.enqueue_dma source(%dma_start3A_125 : memref<16xi32, #tpu.memory_space<hbm>>) target(%arg6 : memref<16xi32, #tpu.memory_space<vmem>>) target_semaphore(%run_scoped3A : memref<!tpu.dma_semaphore, #tpu.memory_space<semaphore_mem>>)
      %dma_wait3A_126 = tpu.memref_slice %arg3[%mul3A_2] : memref<512xi32, #tpu.memory_space<hbm>> -> memref<16xi32, #tpu.memory_space<hbm>>
      %dma_wait3A_127 = tpu.memref_slice %arg3[%mul3A_2] : memref<512xi32, #tpu.memory_space<hbm>> -> memref<16xi32, #tpu.memory_space<hbm>>
      tpu.wait_dma2 semaphore(%run_scoped3A : memref<!tpu.dma_semaphore, #tpu.memory_space<semaphore_mem>>) src(%dma_wait3A_127 : memref<16xi32, #tpu.memory_space<hbm>>) dst(%arg6 : memref<16xi32, #tpu.memory_space<vmem>>)
      tpu.yield
    }) : () -> ()
    "tpu.region"() ({
      %run_scoped3A = tpu.sem_alloc : memref<!tpu.dma_semaphore, #tpu.memory_space<semaphore_mem>>
      %dma_start3A_124 = tpu.memref_slice %arg4[%mul3A_2] : memref<512xi32, #tpu.memory_space<hbm>> -> memref<16xi32, #tpu.memory_space<hbm>>
      %dma_start3A_125 = tpu.memref_slice %arg4[%mul3A_2] : memref<512xi32, #tpu.memory_space<hbm>> -> memref<16xi32, #tpu.memory_space<hbm>>
      tpu.enqueue_dma source(%dma_start3A_125 : memref<16xi32, #tpu.memory_space<hbm>>) target(%arg7 : memref<16xi32, #tpu.memory_space<vmem>>) target_semaphore(%run_scoped3A : memref<!tpu.dma_semaphore, #tpu.memory_space<semaphore_mem>>)
      %dma_wait3A_126 = tpu.memref_slice %arg4[%mul3A_2] : memref<512xi32, #tpu.memory_space<hbm>> -> memref<16xi32, #tpu.memory_space<hbm>>
      %dma_wait3A_127 = tpu.memref_slice %arg4[%mul3A_2] : memref<512xi32, #tpu.memory_space<hbm>> -> memref<16xi32, #tpu.memory_space<hbm>>
      tpu.wait_dma2 semaphore(%run_scoped3A : memref<!tpu.dma_semaphore, #tpu.memory_space<semaphore_mem>>) src(%dma_wait3A_127 : memref<16xi32, #tpu.memory_space<hbm>>) dst(%arg7 : memref<16xi32, #tpu.memory_space<vmem>>)
      tpu.yield
    }) : () -> ()
    %dma_start3A = arith.constant 0 : i32
    %dma_start3A_3 = arith.constant 0 : i32
    %dma_start3A_4 = tpu.memref_slice %arg2[%dma_start3A, %dma_start3A_3] : memref<3072x1024xf32, #tpu.memory_space<hbm>> -> memref<3072x1024xf32, #tpu.memory_space<hbm>>
    tpu.enqueue_indirect_dma source(%dma_start3A_4 : memref<3072x1024xf32, #tpu.memory_space<hbm>>) target(%arg8 : memref<16x1024xf32, #tpu.memory_space<vmem>>) offsets(%arg6 : memref<16xi32, #tpu.memory_space<vmem>>) semaphore(%arg10 : memref<!tpu.dma_semaphore, #tpu.memory_space<semaphore_mem>>)
    %dma_start3A_5 = arith.constant 0 : i32
    %dma_start3A_6 = arith.constant 0 : i32
    %dma_start3A_7 = tpu.memref_slice %arg2[%dma_start3A_5, %dma_start3A_6] : memref<3072x1024xf32, #tpu.memory_space<hbm>> -> memref<3072x1024xf32, #tpu.memory_space<hbm>>
    tpu.enqueue_indirect_dma source(%dma_start3A_7 : memref<3072x1024xf32, #tpu.memory_space<hbm>>) target(%arg9 : memref<16x1024xf32, #tpu.memory_space<vmem>>) offsets(%arg7 : memref<16xi32, #tpu.memory_space<vmem>>) semaphore(%arg11 : memref<!tpu.dma_semaphore, #tpu.memory_space<semaphore_mem>>)
    %dma_wait3A = arith.constant 0 : i32
    %dma_wait3A_8 = arith.constant 0 : i32
    %dma_wait3A_9 = tpu.memref_slice %arg2[%dma_wait3A, %dma_wait3A_8] : memref<3072x1024xf32, #tpu.memory_space<hbm>> -> memref<3072x1024xf32, #tpu.memory_space<hbm>>
    tpu.wait_indirect_dma semaphore(%arg10 : memref<!tpu.dma_semaphore, #tpu.memory_space<semaphore_mem>>) src(%dma_wait3A_9 : memref<3072x1024xf32, #tpu.memory_space<hbm>>) dst(%arg8 : memref<16x1024xf32, #tpu.memory_space<vmem>>)
    %dma_wait3A_10 = arith.constant 0 : i32
    %dma_wait3A_11 = arith.constant 0 : i32
    %dma_wait3A_12 = tpu.memref_slice %arg2[%dma_wait3A_10, %dma_wait3A_11] : memref<3072x1024xf32, #tpu.memory_space<hbm>> -> memref<3072x1024xf32, #tpu.memory_space<hbm>>
    tpu.wait_indirect_dma semaphore(%arg11 : memref<!tpu.dma_semaphore, #tpu.memory_space<semaphore_mem>>) src(%dma_wait3A_12 : memref<3072x1024xf32, #tpu.memory_space<hbm>>) dst(%arg9 : memref<16x1024xf32, #tpu.memory_space<vmem>>)
    %scan3A = arith.constant 0 : i32
    %scan3A_13 = arith.constant 0 : i32
    %scan3A_14 = arith.constant 64 : i32
    %scan3A_15 = arith.addi %scan3A_13, %scan3A_14 : i32
    %scan3A_16 = arith.constant 1 : i32
    %scan3A_17 = scf.for %scan3A_124 = %scan3A_13 to %scan3A_15 step %scan3A_16 iter_args(%scan3A_125 = %scan3A) -> (i32)  : i32 {
      %mul3A_126 = arith.constant 16 : i32
      %mul3A_127 = arith.muli %scan3A_124, %mul3A_126 : i32
      %get3A = arith.constant 0 : i32
      %get3A_128 = arith.index_cast %get3A : i32 to index
      %get3A_129 = arith.index_cast %mul3A_127 : i32 to index
      %get3A_130 = tpu.vector_load %arg8[%get3A_128, %get3A_129] {strides = array<i32>} : memref<16x1024xf32, #tpu.memory_space<vmem>>, vector<1x16xf32>,
      %get3A_131 = vector.shape_cast %get3A_130 : vector<1x16xf32> to vector<16xf32>
      %get3A_132 = arith.constant 0 : i32
      %get3A_133 = arith.index_cast %get3A_132 : i32 to index
      %get3A_134 = arith.index_cast %mul3A_127 : i32 to index
      %get3A_135 = tpu.vector_load %arg9[%get3A_133, %get3A_134] {strides = array<i32>} : memref<16x1024xf32, #tpu.memory_space<vmem>>, vector<1x16xf32>,
      %get3A_136 = vector.shape_cast %get3A_135 : vector<1x16xf32> to vector<16xf32>
      %add3A_137 = arith.addf %get3A_131, %get3A_136 : vector<16xf32>
      %swap3A = arith.constant 0 : i32
      %swap3A_138 = arith.index_cast %swap3A : i32 to index
      %swap3A_139 = arith.index_cast %mul3A_127 : i32 to index
      %swap3A_140 = tpu.vector_load %arg8[%swap3A_138, %swap3A_139] {strides = array<i32>} : memref<16x1024xf32, #tpu.memory_space<vmem>>, vector<1x16xf32>,
      %swap3A_141 = vector.shape_cast %swap3A_140 : vector<1x16xf32> to vector<16xf32>
      %swap3A_142 = vector.shape_cast %add3A_137 : vector<16xf32> to vector<1x16xf32>
      tpu.vector_store %arg8[%swap3A_138, %swap3A_139], %swap3A_142 {strides = array<i32>} : memref<16x1024xf32, #tpu.memory_space<vmem>>, vector<1x16xf32>,
      %scan3A_143 = arith.constant 0 : i32
      scf.yield %scan3A_143 : i32
    }
    %scan3A_18 = arith.constant 64 : i32
    %scan3A_19 = arith.constant 0 : i32
    %scan3A_20 = arith.constant 0 : i32
    %scan3A_21 = arith.constant 64 : i32
    %scan3A_22 = arith.addi %scan3A_20, %scan3A_21 : i32
    %scan3A_23 = arith.constant 1 : i32
    %scan3A_24 = scf.for %scan3A_124 = %scan3A_20 to %scan3A_22 step %scan3A_23 iter_args(%scan3A_125 = %scan3A_19) -> (i32)  : i32 {
      %mul3A_126 = arith.constant 16 : i32
      %mul3A_127 = arith.muli %scan3A_124, %mul3A_126 : i32
      %get3A = arith.constant 1 : i32
      %get3A_128 = arith.index_cast %get3A : i32 to index
      %get3A_129 = arith.index_cast %mul3A_127 : i32 to index
      %get3A_130 = tpu.vector_load %arg8[%get3A_128, %get3A_129] {strides = array<i32>} : memref<16x1024xf32, #tpu.memory_space<vmem>>, vector<1x16xf32>,
      %get3A_131 = vector.shape_cast %get3A_130 : vector<1x16xf32> to vector<16xf32>
      %get3A_132 = arith.constant 1 : i32
      %get3A_133 = arith.index_cast %get3A_132 : i32 to index
      %get3A_134 = arith.index_cast %mul3A_127 : i32 to index
      %get3A_135 = tpu.vector_load %arg9[%get3A_133, %get3A_134] {strides = array<i32>} : memref<16x1024xf32, #tpu.memory_space<vmem>>, vector<1x16xf32>,
      %get3A_136 = vector.shape_cast %get3A_135 : vector<1x16xf32> to vector<16xf32>
      %add3A_137 = arith.addf %get3A_131, %get3A_136 : vector<16xf32>
      %swap3A = arith.constant 1 : i32
      %swap3A_138 = arith.index_cast %swap3A : i32 to index
      %swap3A_139 = arith.index_cast %mul3A_127 : i32 to index
      %swap3A_140 = tpu.vector_load %arg8[%swap3A_138, %swap3A_139] {strides = array<i32>} : memref<16x1024xf32, #tpu.memory_space<vmem>>, vector<1x16xf32>,
      %swap3A_141 = vector.shape_cast %swap3A_140 : vector<1x16xf32> to vector<16xf32>
      %swap3A_142 = vector.shape_cast %add3A_137 : vector<16xf32> to vector<1x16xf32>
      tpu.vector_store %arg8[%swap3A_138, %swap3A_139], %swap3A_142 {strides = array<i32>} : memref<16x1024xf32, #tpu.memory_space<vmem>>, vector<1x16xf32>,
      %scan3A_143 = arith.constant 0 : i32
      scf.yield %scan3A_143 : i32
    }
    %scan3A_25 = arith.constant 64 : i32
    %scan3A_26 = arith.constant 0 : i32
    %scan3A_27 = arith.constant 0 : i32
    %scan3A_28 = arith.constant 64 : i32
    %scan3A_29 = arith.addi %scan3A_27, %scan3A_28 : i32
    %scan3A_30 = arith.constant 1 : i32
    %scan3A_31 = scf.for %scan3A_124 = %scan3A_27 to %scan3A_29 step %scan3A_30 iter_args(%scan3A_125 = %scan3A_26) -> (i32)  : i32 {
      %mul3A_126 = arith.constant 16 : i32
      %mul3A_127 = arith.muli %scan3A_124, %mul3A_126 : i32
      %get3A = arith.constant 2 : i32
      %get3A_128 = arith.index_cast %get3A : i32 to index
      %get3A_129 = arith.index_cast %mul3A_127 : i32 to index
      %get3A_130 = tpu.vector_load %arg8[%get3A_128, %get3A_129] {strides = array<i32>} : memref<16x1024xf32, #tpu.memory_space<vmem>>, vector<1x16xf32>,
      %get3A_131 = vector.shape_cast %get3A_130 : vector<1x16xf32> to vector<16xf32>
      %get3A_132 = arith.constant 2 : i32
      %get3A_133 = arith.index_cast %get3A_132 : i32 to index
      %get3A_134 = arith.index_cast %mul3A_127 : i32 to index
      %get3A_135 = tpu.vector_load %arg9[%get3A_133, %get3A_134] {strides = array<i32>} : memref<16x1024xf32, #tpu.memory_space<vmem>>, vector<1x16xf32>,
      %get3A_136 = vector.shape_cast %get3A_135 : vector<1x16xf32> to vector<16xf32>
      %add3A_137 = arith.addf %get3A_131, %get3A_136 : vector<16xf32>
      %swap3A = arith.constant 2 : i32
      %swap3A_138 = arith.index_cast %swap3A : i32 to index
      %swap3A_139 = arith.index_cast %mul3A_127 : i32 to index
      %swap3A_140 = tpu.vector_load %arg8[%swap3A_138, %swap3A_139] {strides = array<i32>} : memref<16x1024xf32, #tpu.memory_space<vmem>>, vector<1x16xf32>,
      %swap3A_141 = vector.shape_cast %swap3A_140 : vector<1x16xf32> to vector<16xf32>
      %swap3A_142 = vector.shape_cast %add3A_137 : vector<16xf32> to vector<1x16xf32>
      tpu.vector_store %arg8[%swap3A_138, %swap3A_139], %swap3A_142 {strides = array<i32>} : memref<16x1024xf32, #tpu.memory_space<vmem>>, vector<1x16xf32>,
      %scan3A_143 = arith.constant 0 : i32
      scf.yield %scan3A_143 : i32
    }
    %scan3A_32 = arith.constant 64 : i32
    %scan3A_33 = arith.constant 0 : i32
    %scan3A_34 = arith.constant 0 : i32
    %scan3A_35 = arith.constant 64 : i32
    %scan3A_36 = arith.addi %scan3A_34, %scan3A_35 : i32
    %scan3A_37 = arith.constant 1 : i32
    %scan3A_38 = scf.for %scan3A_124 = %scan3A_34 to %scan3A_36 step %scan3A_37 iter_args(%scan3A_125 = %scan3A_33) -> (i32)  : i32 {
      %mul3A_126 = arith.constant 16 : i32
      %mul3A_127 = arith.muli %scan3A_124, %mul3A_126 : i32
      %get3A = arith.constant 3 : i32
      %get3A_128 = arith.index_cast %get3A : i32 to index
      %get3A_129 = arith.index_cast %mul3A_127 : i32 to index
      %get3A_130 = tpu.vector_load %arg8[%get3A_128, %get3A_129] {strides = array<i32>} : memref<16x1024xf32, #tpu.memory_space<vmem>>, vector<1x16xf32>,
      %get3A_131 = vector.shape_cast %get3A_130 : vector<1x16xf32> to vector<16xf32>
      %get3A_132 = arith.constant 3 : i32
      %get3A_133 = arith.index_cast %get3A_132 : i32 to index
      %get3A_134 = arith.index_cast %mul3A_127 : i32 to index
      %get3A_135 = tpu.vector_load %arg9[%get3A_133, %get3A_134] {strides = array<i32>} : memref<16x1024xf32, #tpu.memory_space<vmem>>, vector<1x16xf32>,
      %get3A_136 = vector.shape_cast %get3A_135 : vector<1x16xf32> to vector<16xf32>
      %add3A_137 = arith.addf %get3A_131, %get3A_136 : vector<16xf32>
      %swap3A = arith.constant 3 : i32
      %swap3A_138 = arith.index_cast %swap3A : i32 to index
      %swap3A_139 = arith.index_cast %mul3A_127 : i32 to index
      %swap3A_140 = tpu.vector_load %arg8[%swap3A_138, %swap3A_139] {strides = array<i32>} : memref<16x1024xf32, #tpu.memory_space<vmem>>, vector<1x16xf32>,
      %swap3A_141 = vector.shape_cast %swap3A_140 : vector<1x16xf32> to vector<16xf32>
      %swap3A_142 = vector.shape_cast %add3A_137 : vector<16xf32> to vector<1x16xf32>
      tpu.vector_store %arg8[%swap3A_138, %swap3A_139], %swap3A_142 {strides = array<i32>} : memref<16x1024xf32, #tpu.memory_space<vmem>>, vector<1x16xf32>,
      %scan3A_143 = arith.constant 0 : i32
      scf.yield %scan3A_143 : i32
    }
    %scan3A_39 = arith.constant 64 : i32
    %scan3A_40 = arith.constant 0 : i32
    %scan3A_41 = arith.constant 0 : i32
    %scan3A_42 = arith.constant 64 : i32
    %scan3A_43 = arith.addi %scan3A_41, %scan3A_42 : i32
    %scan3A_44 = arith.constant 1 : i32
    %scan3A_45 = scf.for %scan3A_124 = %scan3A_41 to %scan3A_43 step %scan3A_44 iter_args(%scan3A_125 = %scan3A_40) -> (i32)  : i32 {
      %mul3A_126 = arith.constant 16 : i32
      %mul3A_127 = arith.muli %scan3A_124, %mul3A_126 : i32
      %get3A = arith.constant 4 : i32
      %get3A_128 = arith.index_cast %get3A : i32 to index
      %get3A_129 = arith.index_cast %mul3A_127 : i32 to index
      %get3A_130 = tpu.vector_load %arg8[%get3A_128, %get3A_129] {strides = array<i32>} : memref<16x1024xf32, #tpu.memory_space<vmem>>, vector<1x16xf32>,
      %get3A_131 = vector.shape_cast %get3A_130 : vector<1x16xf32> to vector<16xf32>
      %get3A_132 = arith.constant 4 : i32
      %get3A_133 = arith.index_cast %get3A_132 : i32 to index
      %get3A_134 = arith.index_cast %mul3A_127 : i32 to index
      %get3A_135 = tpu.vector_load %arg9[%get3A_133, %get3A_134] {strides = array<i32>} : memref<16x1024xf32, #tpu.memory_space<vmem>>, vector<1x16xf32>,
      %get3A_136 = vector.shape_cast %get3A_135 : vector<1x16xf32> to vector<16xf32>
      %add3A_137 = arith.addf %get3A_131, %get3A_136 : vector<16xf32>
      %swap3A = arith.constant 4 : i32
      %swap3A_138 = arith.index_cast %swap3A : i32 to index
      %swap3A_139 = arith.index_cast %mul3A_127 : i32 to index
      %swap3A_140 = tpu.vector_load %arg8[%swap3A_138, %swap3A_139] {strides = array<i32>} : memref<16x1024xf32, #tpu.memory_space<vmem>>, vector<1x16xf32>,
      %swap3A_141 = vector.shape_cast %swap3A_140 : vector<1x16xf32> to vector<16xf32>
      %swap3A_142 = vector.shape_cast %add3A_137 : vector<16xf32> to vector<1x16xf32>
      tpu.vector_store %arg8[%swap3A_138, %swap3A_139], %swap3A_142 {strides = array<i32>} : memref<16x1024xf32, #tpu.memory_space<vmem>>, vector<1x16xf32>,
      %scan3A_143 = arith.constant 0 : i32
      scf.yield %scan3A_143 : i32
    }
    %scan3A_46 = arith.constant 64 : i32
    %scan3A_47 = arith.constant 0 : i32
    %scan3A_48 = arith.constant 0 : i32
    %scan3A_49 = arith.constant 64 : i32
    %scan3A_50 = arith.addi %scan3A_48, %scan3A_49 : i32
    %scan3A_51 = arith.constant 1 : i32
    %scan3A_52 = scf.for %scan3A_124 = %scan3A_48 to %scan3A_50 step %scan3A_51 iter_args(%scan3A_125 = %scan3A_47) -> (i32)  : i32 {
      %mul3A_126 = arith.constant 16 : i32
      %mul3A_127 = arith.muli %scan3A_124, %mul3A_126 : i32
      %get3A = arith.constant 5 : i32
      %get3A_128 = arith.index_cast %get3A : i32 to index
      %get3A_129 = arith.index_cast %mul3A_127 : i32 to index
      %get3A_130 = tpu.vector_load %arg8[%get3A_128, %get3A_129] {strides = array<i32>} : memref<16x1024xf32, #tpu.memory_space<vmem>>, vector<1x16xf32>,
      %get3A_131 = vector.shape_cast %get3A_130 : vector<1x16xf32> to vector<16xf32>
      %get3A_132 = arith.constant 5 : i32
      %get3A_133 = arith.index_cast %get3A_132 : i32 to index
      %get3A_134 = arith.index_cast %mul3A_127 : i32 to index
      %get3A_135 = tpu.vector_load %arg9[%get3A_133, %get3A_134] {strides = array<i32>} : memref<16x1024xf32, #tpu.memory_space<vmem>>, vector<1x16xf32>,
      %get3A_136 = vector.shape_cast %get3A_135 : vector<1x16xf32> to vector<16xf32>
      %add3A_137 = arith.addf %get3A_131, %get3A_136 : vector<16xf32>
      %swap3A = arith.constant 5 : i32
      %swap3A_138 = arith.index_cast %swap3A : i32 to index
      %swap3A_139 = arith.index_cast %mul3A_127 : i32 to index
      %swap3A_140 = tpu.vector_load %arg8[%swap3A_138, %swap3A_139] {strides = array<i32>} : memref<16x1024xf32, #tpu.memory_space<vmem>>, vector<1x16xf32>,
      %swap3A_141 = vector.shape_cast %swap3A_140 : vector<1x16xf32> to vector<16xf32>
      %swap3A_142 = vector.shape_cast %add3A_137 : vector<16xf32> to vector<1x16xf32>
      tpu.vector_store %arg8[%swap3A_138, %swap3A_139], %swap3A_142 {strides = array<i32>} : memref<16x1024xf32, #tpu.memory_space<vmem>>, vector<1x16xf32>,
      %scan3A_143 = arith.constant 0 : i32
      scf.yield %scan3A_143 : i32
    }
    %scan3A_53 = arith.constant 64 : i32
    %scan3A_54 = arith.constant 0 : i32
    %scan3A_55 = arith.constant 0 : i32
    %scan3A_56 = arith.constant 64 : i32
    %scan3A_57 = arith.addi %scan3A_55, %scan3A_56 : i32
    %scan3A_58 = arith.constant 1 : i32
    %scan3A_59 = scf.for %scan3A_124 = %scan3A_55 to %scan3A_57 step %scan3A_58 iter_args(%scan3A_125 = %scan3A_54) -> (i32)  : i32 {
      %mul3A_126 = arith.constant 16 : i32
      %mul3A_127 = arith.muli %scan3A_124, %mul3A_126 : i32
      %get3A = arith.constant 6 : i32
      %get3A_128 = arith.index_cast %get3A : i32 to index
      %get3A_129 = arith.index_cast %mul3A_127 : i32 to index
      %get3A_130 = tpu.vector_load %arg8[%get3A_128, %get3A_129] {strides = array<i32>} : memref<16x1024xf32, #tpu.memory_space<vmem>>, vector<1x16xf32>,
      %get3A_131 = vector.shape_cast %get3A_130 : vector<1x16xf32> to vector<16xf32>
      %get3A_132 = arith.constant 6 : i32
      %get3A_133 = arith.index_cast %get3A_132 : i32 to index
      %get3A_134 = arith.index_cast %mul3A_127 : i32 to index
      %get3A_135 = tpu.vector_load %arg9[%get3A_133, %get3A_134] {strides = array<i32>} : memref<16x1024xf32, #tpu.memory_space<vmem>>, vector<1x16xf32>,
      %get3A_136 = vector.shape_cast %get3A_135 : vector<1x16xf32> to vector<16xf32>
      %add3A_137 = arith.addf %get3A_131, %get3A_136 : vector<16xf32>
      %swap3A = arith.constant 6 : i32
      %swap3A_138 = arith.index_cast %swap3A : i32 to index
      %swap3A_139 = arith.index_cast %mul3A_127 : i32 to index
      %swap3A_140 = tpu.vector_load %arg8[%swap3A_138, %swap3A_139] {strides = array<i32>} : memref<16x1024xf32, #tpu.memory_space<vmem>>, vector<1x16xf32>,
      %swap3A_141 = vector.shape_cast %swap3A_140 : vector<1x16xf32> to vector<16xf32>
      %swap3A_142 = vector.shape_cast %add3A_137 : vector<16xf32> to vector<1x16xf32>
      tpu.vector_store %arg8[%swap3A_138, %swap3A_139], %swap3A_142 {strides = array<i32>} : memref<16x1024xf32, #tpu.memory_space<vmem>>, vector<1x16xf32>,
      %scan3A_143 = arith.constant 0 : i32
      scf.yield %scan3A_143 : i32
    }
    %scan3A_60 = arith.constant 64 : i32
    %scan3A_61 = arith.constant 0 : i32
    %scan3A_62 = arith.constant 0 : i32
    %scan3A_63 = arith.constant 64 : i32
    %scan3A_64 = arith.addi %scan3A_62, %scan3A_63 : i32
    %scan3A_65 = arith.constant 1 : i32
    %scan3A_66 = scf.for %scan3A_124 = %scan3A_62 to %scan3A_64 step %scan3A_65 iter_args(%scan3A_125 = %scan3A_61) -> (i32)  : i32 {
      %mul3A_126 = arith.constant 16 : i32
      %mul3A_127 = arith.muli %scan3A_124, %mul3A_126 : i32
      %get3A = arith.constant 7 : i32
      %get3A_128 = arith.index_cast %get3A : i32 to index
      %get3A_129 = arith.index_cast %mul3A_127 : i32 to index
      %get3A_130 = tpu.vector_load %arg8[%get3A_128, %get3A_129] {strides = array<i32>} : memref<16x1024xf32, #tpu.memory_space<vmem>>, vector<1x16xf32>,
      %get3A_131 = vector.shape_cast %get3A_130 : vector<1x16xf32> to vector<16xf32>
      %get3A_132 = arith.constant 7 : i32
      %get3A_133 = arith.index_cast %get3A_132 : i32 to index
      %get3A_134 = arith.index_cast %mul3A_127 : i32 to index
      %get3A_135 = tpu.vector_load %arg9[%get3A_133, %get3A_134] {strides = array<i32>} : memref<16x1024xf32, #tpu.memory_space<vmem>>, vector<1x16xf32>,
      %get3A_136 = vector.shape_cast %get3A_135 : vector<1x16xf32> to vector<16xf32>
      %add3A_137 = arith.addf %get3A_131, %get3A_136 : vector<16xf32>
      %swap3A = arith.constant 7 : i32
      %swap3A_138 = arith.index_cast %swap3A : i32 to index
      %swap3A_139 = arith.index_cast %mul3A_127 : i32 to index
      %swap3A_140 = tpu.vector_load %arg8[%swap3A_138, %swap3A_139] {strides = array<i32>} : memref<16x1024xf32, #tpu.memory_space<vmem>>, vector<1x16xf32>,
      %swap3A_141 = vector.shape_cast %swap3A_140 : vector<1x16xf32> to vector<16xf32>
      %swap3A_142 = vector.shape_cast %add3A_137 : vector<16xf32> to vector<1x16xf32>
      tpu.vector_store %arg8[%swap3A_138, %swap3A_139], %swap3A_142 {strides = array<i32>} : memref<16x1024xf32, #tpu.memory_space<vmem>>, vector<1x16xf32>,
      %scan3A_143 = arith.constant 0 : i32
      scf.yield %scan3A_143 : i32
    }
    %scan3A_67 = arith.constant 64 : i32
    %scan3A_68 = arith.constant 0 : i32
    %scan3A_69 = arith.constant 0 : i32
    %scan3A_70 = arith.constant 64 : i32
    %scan3A_71 = arith.addi %scan3A_69, %scan3A_70 : i32
    %scan3A_72 = arith.constant 1 : i32
    %scan3A_73 = scf.for %scan3A_124 = %scan3A_69 to %scan3A_71 step %scan3A_72 iter_args(%scan3A_125 = %scan3A_68) -> (i32)  : i32 {
      %mul3A_126 = arith.constant 16 : i32
      %mul3A_127 = arith.muli %scan3A_124, %mul3A_126 : i32
      %get3A = arith.constant 8 : i32
      %get3A_128 = arith.index_cast %get3A : i32 to index
      %get3A_129 = arith.index_cast %mul3A_127 : i32 to index
      %get3A_130 = tpu.vector_load %arg8[%get3A_128, %get3A_129] {strides = array<i32>} : memref<16x1024xf32, #tpu.memory_space<vmem>>, vector<1x16xf32>,
      %get3A_131 = vector.shape_cast %get3A_130 : vector<1x16xf32> to vector<16xf32>
      %get3A_132 = arith.constant 8 : i32
      %get3A_133 = arith.index_cast %get3A_132 : i32 to index
      %get3A_134 = arith.index_cast %mul3A_127 : i32 to index
      %get3A_135 = tpu.vector_load %arg9[%get3A_133, %get3A_134] {strides = array<i32>} : memref<16x1024xf32, #tpu.memory_space<vmem>>, vector<1x16xf32>,
      %get3A_136 = vector.shape_cast %get3A_135 : vector<1x16xf32> to vector<16xf32>
      %add3A_137 = arith.addf %get3A_131, %get3A_136 : vector<16xf32>
      %swap3A = arith.constant 8 : i32
      %swap3A_138 = arith.index_cast %swap3A : i32 to index
      %swap3A_139 = arith.index_cast %mul3A_127 : i32 to index
      %swap3A_140 = tpu.vector_load %arg8[%swap3A_138, %swap3A_139] {strides = array<i32>} : memref<16x1024xf32, #tpu.memory_space<vmem>>, vector<1x16xf32>,
      %swap3A_141 = vector.shape_cast %swap3A_140 : vector<1x16xf32> to vector<16xf32>
      %swap3A_142 = vector.shape_cast %add3A_137 : vector<16xf32> to vector<1x16xf32>
      tpu.vector_store %arg8[%swap3A_138, %swap3A_139], %swap3A_142 {strides = array<i32>} : memref<16x1024xf32, #tpu.memory_space<vmem>>, vector<1x16xf32>,
      %scan3A_143 = arith.constant 0 : i32
      scf.yield %scan3A_143 : i32
    }
    %scan3A_74 = arith.constant 64 : i32
    %scan3A_75 = arith.constant 0 : i32
    %scan3A_76 = arith.constant 0 : i32
    %scan3A_77 = arith.constant 64 : i32
    %scan3A_78 = arith.addi %scan3A_76, %scan3A_77 : i32
    %scan3A_79 = arith.constant 1 : i32
    %scan3A_80 = scf.for %scan3A_124 = %scan3A_76 to %scan3A_78 step %scan3A_79 iter_args(%scan3A_125 = %scan3A_75) -> (i32)  : i32 {
      %mul3A_126 = arith.constant 16 : i32
      %mul3A_127 = arith.muli %scan3A_124, %mul3A_126 : i32
      %get3A = arith.constant 9 : i32
      %get3A_128 = arith.index_cast %get3A : i32 to index
      %get3A_129 = arith.index_cast %mul3A_127 : i32 to index
      %get3A_130 = tpu.vector_load %arg8[%get3A_128, %get3A_129] {strides = array<i32>} : memref<16x1024xf32, #tpu.memory_space<vmem>>, vector<1x16xf32>,
      %get3A_131 = vector.shape_cast %get3A_130 : vector<1x16xf32> to vector<16xf32>
      %get3A_132 = arith.constant 9 : i32
      %get3A_133 = arith.index_cast %get3A_132 : i32 to index
      %get3A_134 = arith.index_cast %mul3A_127 : i32 to index
      %get3A_135 = tpu.vector_load %arg9[%get3A_133, %get3A_134] {strides = array<i32>} : memref<16x1024xf32, #tpu.memory_space<vmem>>, vector<1x16xf32>,
      %get3A_136 = vector.shape_cast %get3A_135 : vector<1x16xf32> to vector<16xf32>
      %add3A_137 = arith.addf %get3A_131, %get3A_136 : vector<16xf32>
      %swap3A = arith.constant 9 : i32
      %swap3A_138 = arith.index_cast %swap3A : i32 to index
      %swap3A_139 = arith.index_cast %mul3A_127 : i32 to index
      %swap3A_140 = tpu.vector_load %arg8[%swap3A_138, %swap3A_139] {strides = array<i32>} : memref<16x1024xf32, #tpu.memory_space<vmem>>, vector<1x16xf32>,
      %swap3A_141 = vector.shape_cast %swap3A_140 : vector<1x16xf32> to vector<16xf32>
      %swap3A_142 = vector.shape_cast %add3A_137 : vector<16xf32> to vector<1x16xf32>
      tpu.vector_store %arg8[%swap3A_138, %swap3A_139], %swap3A_142 {strides = array<i32>} : memref<16x1024xf32, #tpu.memory_space<vmem>>, vector<1x16xf32>,
      %scan3A_143 = arith.constant 0 : i32
      scf.yield %scan3A_143 : i32
    }
    %scan3A_81 = arith.constant 64 : i32
    %scan3A_82 = arith.constant 0 : i32
    %scan3A_83 = arith.constant 0 : i32
    %scan3A_84 = arith.constant 64 : i32
    %scan3A_85 = arith.addi %scan3A_83, %scan3A_84 : i32
    %scan3A_86 = arith.constant 1 : i32
    %scan3A_87 = scf.for %scan3A_124 = %scan3A_83 to %scan3A_85 step %scan3A_86 iter_args(%scan3A_125 = %scan3A_82) -> (i32)  : i32 {
      %mul3A_126 = arith.constant 16 : i32
      %mul3A_127 = arith.muli %scan3A_124, %mul3A_126 : i32
      %get3A = arith.constant 10 : i32
      %get3A_128 = arith.index_cast %get3A : i32 to index
      %get3A_129 = arith.index_cast %mul3A_127 : i32 to index
      %get3A_130 = tpu.vector_load %arg8[%get3A_128, %get3A_129] {strides = array<i32>} : memref<16x1024xf32, #tpu.memory_space<vmem>>, vector<1x16xf32>,
      %get3A_131 = vector.shape_cast %get3A_130 : vector<1x16xf32> to vector<16xf32>
      %get3A_132 = arith.constant 10 : i32
      %get3A_133 = arith.index_cast %get3A_132 : i32 to index
      %get3A_134 = arith.index_cast %mul3A_127 : i32 to index
      %get3A_135 = tpu.vector_load %arg9[%get3A_133, %get3A_134] {strides = array<i32>} : memref<16x1024xf32, #tpu.memory_space<vmem>>, vector<1x16xf32>,
      %get3A_136 = vector.shape_cast %get3A_135 : vector<1x16xf32> to vector<16xf32>
      %add3A_137 = arith.addf %get3A_131, %get3A_136 : vector<16xf32>
      %swap3A = arith.constant 10 : i32
      %swap3A_138 = arith.index_cast %swap3A : i32 to index
      %swap3A_139 = arith.index_cast %mul3A_127 : i32 to index
      %swap3A_140 = tpu.vector_load %arg8[%swap3A_138, %swap3A_139] {strides = array<i32>} : memref<16x1024xf32, #tpu.memory_space<vmem>>, vector<1x16xf32>,
      %swap3A_141 = vector.shape_cast %swap3A_140 : vector<1x16xf32> to vector<16xf32>
      %swap3A_142 = vector.shape_cast %add3A_137 : vector<16xf32> to vector<1x16xf32>
      tpu.vector_store %arg8[%swap3A_138, %swap3A_139], %swap3A_142 {strides = array<i32>} : memref<16x1024xf32, #tpu.memory_space<vmem>>, vector<1x16xf32>,
      %scan3A_143 = arith.constant 0 : i32
      scf.yield %scan3A_143 : i32
    }
    %scan3A_88 = arith.constant 64 : i32
    %scan3A_89 = arith.constant 0 : i32
    %scan3A_90 = arith.constant 0 : i32
    %scan3A_91 = arith.constant 64 : i32
    %scan3A_92 = arith.addi %scan3A_90, %scan3A_91 : i32
    %scan3A_93 = arith.constant 1 : i32
    %scan3A_94 = scf.for %scan3A_124 = %scan3A_90 to %scan3A_92 step %scan3A_93 iter_args(%scan3A_125 = %scan3A_89) -> (i32)  : i32 {
      %mul3A_126 = arith.constant 16 : i32
      %mul3A_127 = arith.muli %scan3A_124, %mul3A_126 : i32
      %get3A = arith.constant 11 : i32
      %get3A_128 = arith.index_cast %get3A : i32 to index
      %get3A_129 = arith.index_cast %mul3A_127 : i32 to index
      %get3A_130 = tpu.vector_load %arg8[%get3A_128, %get3A_129] {strides = array<i32>} : memref<16x1024xf32, #tpu.memory_space<vmem>>, vector<1x16xf32>,
      %get3A_131 = vector.shape_cast %get3A_130 : vector<1x16xf32> to vector<16xf32>
      %get3A_132 = arith.constant 11 : i32
      %get3A_133 = arith.index_cast %get3A_132 : i32 to index
      %get3A_134 = arith.index_cast %mul3A_127 : i32 to index
      %get3A_135 = tpu.vector_load %arg9[%get3A_133, %get3A_134] {strides = array<i32>} : memref<16x1024xf32, #tpu.memory_space<vmem>>, vector<1x16xf32>,
      %get3A_136 = vector.shape_cast %get3A_135 : vector<1x16xf32> to vector<16xf32>
      %add3A_137 = arith.addf %get3A_131, %get3A_136 : vector<16xf32>
      %swap3A = arith.constant 11 : i32
      %swap3A_138 = arith.index_cast %swap3A : i32 to index
      %swap3A_139 = arith.index_cast %mul3A_127 : i32 to index
      %swap3A_140 = tpu.vector_load %arg8[%swap3A_138, %swap3A_139] {strides = array<i32>} : memref<16x1024xf32, #tpu.memory_space<vmem>>, vector<1x16xf32>,
      %swap3A_141 = vector.shape_cast %swap3A_140 : vector<1x16xf32> to vector<16xf32>
      %swap3A_142 = vector.shape_cast %add3A_137 : vector<16xf32> to vector<1x16xf32>
      tpu.vector_store %arg8[%swap3A_138, %swap3A_139], %swap3A_142 {strides = array<i32>} : memref<16x1024xf32, #tpu.memory_space<vmem>>, vector<1x16xf32>,
      %scan3A_143 = arith.constant 0 : i32
      scf.yield %scan3A_143 : i32
    }
    %scan3A_95 = arith.constant 64 : i32
    %scan3A_96 = arith.constant 0 : i32
    %scan3A_97 = arith.constant 0 : i32
    %scan3A_98 = arith.constant 64 : i32
    %scan3A_99 = arith.addi %scan3A_97, %scan3A_98 : i32
    %scan3A_100 = arith.constant 1 : i32
    %scan3A_101 = scf.for %scan3A_124 = %scan3A_97 to %scan3A_99 step %scan3A_100 iter_args(%scan3A_125 = %scan3A_96) -> (i32)  : i32 {
      %mul3A_126 = arith.constant 16 : i32
      %mul3A_127 = arith.muli %scan3A_124, %mul3A_126 : i32
      %get3A = arith.constant 12 : i32
      %get3A_128 = arith.index_cast %get3A : i32 to index
      %get3A_129 = arith.index_cast %mul3A_127 : i32 to index
      %get3A_130 = tpu.vector_load %arg8[%get3A_128, %get3A_129] {strides = array<i32>} : memref<16x1024xf32, #tpu.memory_space<vmem>>, vector<1x16xf32>,
      %get3A_131 = vector.shape_cast %get3A_130 : vector<1x16xf32> to vector<16xf32>
      %get3A_132 = arith.constant 12 : i32
      %get3A_133 = arith.index_cast %get3A_132 : i32 to index
      %get3A_134 = arith.index_cast %mul3A_127 : i32 to index
      %get3A_135 = tpu.vector_load %arg9[%get3A_133, %get3A_134] {strides = array<i32>} : memref<16x1024xf32, #tpu.memory_space<vmem>>, vector<1x16xf32>,
      %get3A_136 = vector.shape_cast %get3A_135 : vector<1x16xf32> to vector<16xf32>
      %add3A_137 = arith.addf %get3A_131, %get3A_136 : vector<16xf32>
      %swap3A = arith.constant 12 : i32
      %swap3A_138 = arith.index_cast %swap3A : i32 to index
      %swap3A_139 = arith.index_cast %mul3A_127 : i32 to index
      %swap3A_140 = tpu.vector_load %arg8[%swap3A_138, %swap3A_139] {strides = array<i32>} : memref<16x1024xf32, #tpu.memory_space<vmem>>, vector<1x16xf32>,
      %swap3A_141 = vector.shape_cast %swap3A_140 : vector<1x16xf32> to vector<16xf32>
      %swap3A_142 = vector.shape_cast %add3A_137 : vector<16xf32> to vector<1x16xf32>
      tpu.vector_store %arg8[%swap3A_138, %swap3A_139], %swap3A_142 {strides = array<i32>} : memref<16x1024xf32, #tpu.memory_space<vmem>>, vector<1x16xf32>,
      %scan3A_143 = arith.constant 0 : i32
      scf.yield %scan3A_143 : i32
    }
    %scan3A_102 = arith.constant 64 : i32
    %scan3A_103 = arith.constant 0 : i32
    %scan3A_104 = arith.constant 0 : i32
    %scan3A_105 = arith.constant 64 : i32
    %scan3A_106 = arith.addi %scan3A_104, %scan3A_105 : i32
    %scan3A_107 = arith.constant 1 : i32
    %scan3A_108 = scf.for %scan3A_124 = %scan3A_104 to %scan3A_106 step %scan3A_107 iter_args(%scan3A_125 = %scan3A_103) -> (i32)  : i32 {
      %mul3A_126 = arith.constant 16 : i32
      %mul3A_127 = arith.muli %scan3A_124, %mul3A_126 : i32
      %get3A = arith.constant 13 : i32
      %get3A_128 = arith.index_cast %get3A : i32 to index
      %get3A_129 = arith.index_cast %mul3A_127 : i32 to index
      %get3A_130 = tpu.vector_load %arg8[%get3A_128, %get3A_129] {strides = array<i32>} : memref<16x1024xf32, #tpu.memory_space<vmem>>, vector<1x16xf32>,
      %get3A_131 = vector.shape_cast %get3A_130 : vector<1x16xf32> to vector<16xf32>
      %get3A_132 = arith.constant 13 : i32
      %get3A_133 = arith.index_cast %get3A_132 : i32 to index
      %get3A_134 = arith.index_cast %mul3A_127 : i32 to index
      %get3A_135 = tpu.vector_load %arg9[%get3A_133, %get3A_134] {strides = array<i32>} : memref<16x1024xf32, #tpu.memory_space<vmem>>, vector<1x16xf32>,
      %get3A_136 = vector.shape_cast %get3A_135 : vector<1x16xf32> to vector<16xf32>
      %add3A_137 = arith.addf %get3A_131, %get3A_136 : vector<16xf32>
      %swap3A = arith.constant 13 : i32
      %swap3A_138 = arith.index_cast %swap3A : i32 to index
      %swap3A_139 = arith.index_cast %mul3A_127 : i32 to index
      %swap3A_140 = tpu.vector_load %arg8[%swap3A_138, %swap3A_139] {strides = array<i32>} : memref<16x1024xf32, #tpu.memory_space<vmem>>, vector<1x16xf32>,
      %swap3A_141 = vector.shape_cast %swap3A_140 : vector<1x16xf32> to vector<16xf32>
      %swap3A_142 = vector.shape_cast %add3A_137 : vector<16xf32> to vector<1x16xf32>
      tpu.vector_store %arg8[%swap3A_138, %swap3A_139], %swap3A_142 {strides = array<i32>} : memref<16x1024xf32, #tpu.memory_space<vmem>>, vector<1x16xf32>,
      %scan3A_143 = arith.constant 0 : i32
      scf.yield %scan3A_143 : i32
    }
    %scan3A_109 = arith.constant 64 : i32
    %scan3A_110 = arith.constant 0 : i32
    %scan3A_111 = arith.constant 0 : i32
    %scan3A_112 = arith.constant 64 : i32
    %scan3A_113 = arith.addi %scan3A_111, %scan3A_112 : i32
    %scan3A_114 = arith.constant 1 : i32
    %scan3A_115 = scf.for %scan3A_124 = %scan3A_111 to %scan3A_113 step %scan3A_114 iter_args(%scan3A_125 = %scan3A_110) -> (i32)  : i32 {
      %mul3A_126 = arith.constant 16 : i32
      %mul3A_127 = arith.muli %scan3A_124, %mul3A_126 : i32
      %get3A = arith.constant 14 : i32
      %get3A_128 = arith.index_cast %get3A : i32 to index
      %get3A_129 = arith.index_cast %mul3A_127 : i32 to index
      %get3A_130 = tpu.vector_load %arg8[%get3A_128, %get3A_129] {strides = array<i32>} : memref<16x1024xf32, #tpu.memory_space<vmem>>, vector<1x16xf32>,
      %get3A_131 = vector.shape_cast %get3A_130 : vector<1x16xf32> to vector<16xf32>
      %get3A_132 = arith.constant 14 : i32
      %get3A_133 = arith.index_cast %get3A_132 : i32 to index
      %get3A_134 = arith.index_cast %mul3A_127 : i32 to index
      %get3A_135 = tpu.vector_load %arg9[%get3A_133, %get3A_134] {strides = array<i32>} : memref<16x1024xf32, #tpu.memory_space<vmem>>, vector<1x16xf32>,
      %get3A_136 = vector.shape_cast %get3A_135 : vector<1x16xf32> to vector<16xf32>
      %add3A_137 = arith.addf %get3A_131, %get3A_136 : vector<16xf32>
      %swap3A = arith.constant 14 : i32
      %swap3A_138 = arith.index_cast %swap3A : i32 to index
      %swap3A_139 = arith.index_cast %mul3A_127 : i32 to index
      %swap3A_140 = tpu.vector_load %arg8[%swap3A_138, %swap3A_139] {strides = array<i32>} : memref<16x1024xf32, #tpu.memory_space<vmem>>, vector<1x16xf32>,
      %swap3A_141 = vector.shape_cast %swap3A_140 : vector<1x16xf32> to vector<16xf32>
      %swap3A_142 = vector.shape_cast %add3A_137 : vector<16xf32> to vector<1x16xf32>
      tpu.vector_store %arg8[%swap3A_138, %swap3A_139], %swap3A_142 {strides = array<i32>} : memref<16x1024xf32, #tpu.memory_space<vmem>>, vector<1x16xf32>,
      %scan3A_143 = arith.constant 0 : i32
      scf.yield %scan3A_143 : i32
    }
    %scan3A_116 = arith.constant 64 : i32
    %scan3A_117 = arith.constant 0 : i32
    %scan3A_118 = arith.constant 0 : i32
    %scan3A_119 = arith.constant 64 : i32
    %scan3A_120 = arith.addi %scan3A_118, %scan3A_119 : i32
    %scan3A_121 = arith.constant 1 : i32
    %scan3A_122 = scf.for %scan3A_124 = %scan3A_118 to %scan3A_120 step %scan3A_121 iter_args(%scan3A_125 = %scan3A_117) -> (i32)  : i32 {
      %mul3A_126 = arith.constant 16 : i32
      %mul3A_127 = arith.muli %scan3A_124, %mul3A_126 : i32
      %get3A = arith.constant 15 : i32
      %get3A_128 = arith.index_cast %get3A : i32 to index
      %get3A_129 = arith.index_cast %mul3A_127 : i32 to index
      %get3A_130 = tpu.vector_load %arg8[%get3A_128, %get3A_129] {strides = array<i32>} : memref<16x1024xf32, #tpu.memory_space<vmem>>, vector<1x16xf32>,
      %get3A_131 = vector.shape_cast %get3A_130 : vector<1x16xf32> to vector<16xf32>
      %get3A_132 = arith.constant 15 : i32
      %get3A_133 = arith.index_cast %get3A_132 : i32 to index
      %get3A_134 = arith.index_cast %mul3A_127 : i32 to index
      %get3A_135 = tpu.vector_load %arg9[%get3A_133, %get3A_134] {strides = array<i32>} : memref<16x1024xf32, #tpu.memory_space<vmem>>, vector<1x16xf32>,
      %get3A_136 = vector.shape_cast %get3A_135 : vector<1x16xf32> to vector<16xf32>
      %add3A_137 = arith.addf %get3A_131, %get3A_136 : vector<16xf32>
      %swap3A = arith.constant 15 : i32
      %swap3A_138 = arith.index_cast %swap3A : i32 to index
      %swap3A_139 = arith.index_cast %mul3A_127 : i32 to index
      %swap3A_140 = tpu.vector_load %arg8[%swap3A_138, %swap3A_139] {strides = array<i32>} : memref<16x1024xf32, #tpu.memory_space<vmem>>, vector<1x16xf32>,
      %swap3A_141 = vector.shape_cast %swap3A_140 : vector<1x16xf32> to vector<16xf32>
      %swap3A_142 = vector.shape_cast %add3A_137 : vector<16xf32> to vector<1x16xf32>
      tpu.vector_store %arg8[%swap3A_138, %swap3A_139], %swap3A_142 {strides = array<i32>} : memref<16x1024xf32, #tpu.memory_space<vmem>>, vector<1x16xf32>,
      %scan3A_143 = arith.constant 0 : i32
      scf.yield %scan3A_143 : i32
    }
    %scan3A_123 = arith.constant 64 : i32
    "tpu.region"() ({
      %run_scoped3A = tpu.sem_alloc : memref<!tpu.dma_semaphore, #tpu.memory_space<semaphore_mem>>
      %dma_start3A_124 = arith.constant 0 : i32
      %dma_start3A_125 = tpu.memref_slice %arg5[%mul3A_2, %dma_start3A_124] : memref<512x1024xf32, #tpu.memory_space<hbm>> -> memref<16x1024xf32, #tpu.memory_space<hbm>>
      %dma_start3A_126 = arith.constant 0 : i32
      %dma_start3A_127 = tpu.memref_slice %arg5[%mul3A_2, %dma_start3A_126] : memref<512x1024xf32, #tpu.memory_space<hbm>> -> memref<16x1024xf32, #tpu.memory_space<hbm>>
      tpu.enqueue_dma source(%arg8 : memref<16x1024xf32, #tpu.memory_space<vmem>>) target(%dma_start3A_127 : memref<16x1024xf32, #tpu.memory_space<hbm>>) target_semaphore(%run_scoped3A : memref<!tpu.dma_semaphore, #tpu.memory_space<semaphore_mem>>)
      %dma_wait3A_128 = arith.constant 0 : i32
      %dma_wait3A_129 = tpu.memref_slice %arg5[%mul3A_2, %dma_wait3A_128] : memref<512x1024xf32, #tpu.memory_space<hbm>> -> memref<16x1024xf32, #tpu.memory_space<hbm>>
      %dma_wait3A_130 = arith.constant 0 : i32
      %dma_wait3A_131 = tpu.memref_slice %arg5[%mul3A_2, %dma_wait3A_130] : memref<512x1024xf32, #tpu.memory_space<hbm>> -> memref<16x1024xf32, #tpu.memory_space<hbm>>
      tpu.wait_dma2 semaphore(%run_scoped3A : memref<!tpu.dma_semaphore, #tpu.memory_space<semaphore_mem>>) src(%arg8 : memref<16x1024xf32, #tpu.memory_space<vmem>>) dst(%dma_wait3A_131 : memref<16x1024xf32, #tpu.memory_space<hbm>>)
      tpu.yield
    }) : () -> ()
    return
  }
}

module attributes {stable_mosaic.version = 14 : i64} {
  func.func @_mlp_body(%arg0: i32, %arg1: memref<96xi32, #tpu.memory_space<smem>>, %arg2: memref<32x1024xf32, #tpu.memory_space<vmem>>, %arg3: memref<1x256x1024xf32, #tpu.memory_space<vmem>>, %arg4: memref<1x256x1024xf32, #tpu.memory_space<vmem>>, %arg5: memref<1x1024x256xf32, #tpu.memory_space<vmem>>, %arg6: memref<32x1xf32, #tpu.memory_space<vmem>>, %arg7: memref<32x1024xf32, #tpu.memory_space<vmem>>) attributes {dimension_semantics = [#tpu.dimension_semantics<arbitrary>], iteration_bounds = array<i64: 96>, scalar_prefetch = 1 : i64, scratch_operands = 0 : i64, tpu.core_type = #tpu.core_type<tc>, window_params = [{transform_indices = @transform_0, window_bounds = array<i64: 32, 1024>}, {transform_indices = @transform_1, window_bounds = array<i64: 1, 256, 1024>}, {transform_indices = @transform_2, window_bounds = array<i64: 1, 256, 1024>}, {transform_indices = @transform_3, window_bounds = array<i64: 1, 1024, 256>}, {transform_indices = @transform_4, window_bounds = array<i64: 32, 1>}, {transform_indices = @transform_5, window_bounds = array<i64: 32, 1024>}]} {
    %get3A = arith.constant 0 : index
    %get3A_0 = arith.constant 0 : index
    %get3A_1 = vector.load %arg2[%get3A, %get3A_0] : memref<32x1024xf32, #tpu.memory_space<vmem>>, vector<32x1024xf32>
    %get3A_2 = arith.constant 0 : index
    %get3A_3 = arith.constant 0 : index
    %get3A_4 = arith.constant 0 : index
    %get3A_5 = vector.load %arg3[%get3A_2, %get3A_3, %get3A_4] : memref<1x256x1024xf32, #tpu.memory_space<vmem>>, vector<1x256x1024xf32>
    %get3A_6 = vector.shape_cast %get3A_5 : vector<1x256x1024xf32> to vector<256x1024xf32>
    %get3A_7 = arith.constant 0 : index
    %get3A_8 = arith.constant 0 : index
    %get3A_9 = arith.constant 0 : index
    %get3A_10 = vector.load %arg4[%get3A_7, %get3A_8, %get3A_9] : memref<1x256x1024xf32, #tpu.memory_space<vmem>>, vector<1x256x1024xf32>
    %get3A_11 = vector.shape_cast %get3A_10 : vector<1x256x1024xf32> to vector<256x1024xf32>
    %get3A_12 = arith.constant 0 : index
    %get3A_13 = arith.constant 0 : index
    %get3A_14 = arith.constant 0 : index
    %get3A_15 = vector.load %arg5[%get3A_12, %get3A_13, %get3A_14] : memref<1x1024x256xf32, #tpu.memory_space<vmem>>, vector<1x1024x256xf32>
    %get3A_16 = vector.shape_cast %get3A_15 : vector<1x1024x256xf32> to vector<1024x256xf32>
    %dot_general3A = arith.constant dense<0.000000e+00> : vector<32x256xf32>
    %dot_general3A_17 = tpu.matmul %get3A_1, %get3A_6, %dot_general3A {dimension_numbers = #tpu.dot_dimension_numbers<[1], [1], [0], [0], [0, 0, 1, 0], [], []>, transpose_lhs_hint = false} : vector<32x1024xf32>, vector<256x1024xf32>, vector<32x256xf32> -> vector<32x256xf32>
    %dot_general3A_18 = arith.constant dense<0.000000e+00> : vector<32x256xf32>
    %dot_general3A_19 = tpu.matmul %get3A_1, %get3A_11, %dot_general3A_18 {dimension_numbers = #tpu.dot_dimension_numbers<[1], [1], [0], [0], [0, 0, 1, 0], [], []>, transpose_lhs_hint = false} : vector<32x1024xf32>, vector<256x1024xf32>, vector<32x256xf32> -> vector<32x256xf32>
    %neg3A = arith.constant 0.000000e+00 : f32
    %neg3A_20 = vector.broadcast %neg3A : f32 to vector<32x256xf32>
    %neg3A_21 = arith.subf %neg3A_20, %dot_general3A_17 : vector<32x256xf32>
    %exp3A = math.exp %neg3A_21 : vector<32x256xf32>
    %add3A = arith.constant 1.000000e+00 : f32
    %add3A_22 = vector.broadcast %add3A : f32 to vector<32x256xf32>
    %add3A_23 = arith.addf %add3A_22, %exp3A : vector<32x256xf32>
    %div3A = arith.divf %dot_general3A_17, %add3A_23 : vector<32x256xf32>
    %mul3A = arith.mulf %div3A, %dot_general3A_19 : vector<32x256xf32>
    %get3A_24 = arith.constant 0 : index
    %get3A_25 = arith.constant 0 : index
    %get3A_26 = vector.load %arg6[%get3A_24, %get3A_25] : memref<32x1xf32, #tpu.memory_space<vmem>>, vector<32x1xf32>
    %mul3A_27 = vector.broadcast %get3A_26 : vector<32x1xf32> to vector<32x256xf32>
    %mul3A_28 = arith.mulf %mul3A, %mul3A_27 : vector<32x256xf32>
    %dot_general3A_29 = arith.constant dense<0.000000e+00> : vector<32x1024xf32>
    %dot_general3A_30 = tpu.matmul %mul3A_28, %get3A_16, %dot_general3A_29 {dimension_numbers = #tpu.dot_dimension_numbers<[1], [1], [0], [0], [0, 0, 1, 0], [], []>, transpose_lhs_hint = false} : vector<32x256xf32>, vector<1024x256xf32>, vector<32x1024xf32> -> vector<32x1024xf32>
    %swap3A = arith.constant 0 : index
    %swap3A_31 = arith.constant 0 : index
    %swap3A_32 = vector.load %arg7[%swap3A, %swap3A_31] : memref<32x1024xf32, #tpu.memory_space<vmem>>, vector<32x1024xf32>
    tpu.vector_store %arg7[%swap3A, %swap3A_31], %dot_general3A_30 {strides = array<i32>} : memref<32x1024xf32, #tpu.memory_space<vmem>>, vector<32x1024xf32>,
    return
  }
  func.func @transform_0(%arg0: i32, %arg1: memref<96xi32, #tpu.memory_space<smem>>) -> (i32, i32) {
    %c0_i32 = arith.constant 0 : i32
    %c0_i32_0 = arith.constant 0 : i32
    return %arg0, %c0_i32 : i32, i32
  }
  func.func @transform_1(%arg0: i32, %arg1: memref<96xi32, #tpu.memory_space<smem>>) -> (i32, i32, i32) {
    %get3A = arith.index_cast %arg0 : i32 to index
    %get3A_0 = memref.load %arg1[%get3A] : memref<96xi32, #tpu.memory_space<smem>>
    %c0_i32 = arith.constant 0 : i32
    %c0_i32_1 = arith.constant 0 : i32
    %c0_i32_2 = arith.constant 0 : i32
    return %get3A_0, %c0_i32, %c0_i32_1 : i32, i32, i32
  }
  func.func @transform_2(%arg0: i32, %arg1: memref<96xi32, #tpu.memory_space<smem>>) -> (i32, i32, i32) {
    %get3A = arith.index_cast %arg0 : i32 to index
    %get3A_0 = memref.load %arg1[%get3A] : memref<96xi32, #tpu.memory_space<smem>>
    %c0_i32 = arith.constant 0 : i32
    %c0_i32_1 = arith.constant 0 : i32
    %c0_i32_2 = arith.constant 0 : i32
    return %get3A_0, %c0_i32, %c0_i32_1 : i32, i32, i32
  }
  func.func @transform_3(%arg0: i32, %arg1: memref<96xi32, #tpu.memory_space<smem>>) -> (i32, i32, i32) {
    %get3A = arith.index_cast %arg0 : i32 to index
    %get3A_0 = memref.load %arg1[%get3A] : memref<96xi32, #tpu.memory_space<smem>>
    %c0_i32 = arith.constant 0 : i32
    %c0_i32_1 = arith.constant 0 : i32
    %c0_i32_2 = arith.constant 0 : i32
    return %get3A_0, %c0_i32, %c0_i32_1 : i32, i32, i32
  }
  func.func @transform_4(%arg0: i32, %arg1: memref<96xi32, #tpu.memory_space<smem>>) -> (i32, i32) {
    %c0_i32 = arith.constant 0 : i32
    %c0_i32_0 = arith.constant 0 : i32
    return %arg0, %c0_i32 : i32, i32
  }
  func.func @transform_5(%arg0: i32, %arg1: memref<96xi32, #tpu.memory_space<smem>>) -> (i32, i32) {
    %c0_i32 = arith.constant 0 : i32
    %c0_i32_0 = arith.constant 0 : i32
    return %arg0, %c0_i32 : i32, i32
  }
}

module attributes {stable_mosaic.version = 14 : i64} {
  func.func @_router_meta_body(%arg0: i32, %arg1: memref<512x1024xf32, #tpu.memory_space<vmem>>, %arg2: memref<64x1024xf32, #tpu.memory_space<vmem>>, %arg3: memref<512x64xf32, #tpu.memory_space<vmem>>, %arg4: memref<96x1xi32, #tpu.memory_space<vmem>>, %arg5: memref<512x1xi32, #tpu.memory_space<vmem>>, %arg6: memref<512x1xi32, #tpu.memory_space<vmem>>, %arg7: memref<512x1024xf32, #tpu.memory_space<vmem>>, %arg8: memref<512x1xf32, #tpu.memory_space<vmem>>, %arg9: memref<1x512xf32, #tpu.memory_space<vmem>>, %arg10: memref<1x512xf32, #tpu.memory_space<vmem>>, %arg11: memref<1x512xf32, #tpu.memory_space<vmem>>, %arg12: memref<1x512xf32, #tpu.memory_space<vmem>>) attributes {dimension_semantics = [#tpu.dimension_semantics<arbitrary>], iteration_bounds = array<i64: 6>, scalar_prefetch = 0 : i64, scratch_operands = 4 : i64, tpu.core_type = #tpu.core_type<tc>, window_params = [{pipeline_mode = #tpu.pipeline_mode<synchronous>, transform_indices = @transform_0, window_bounds = array<i64: 512, 1024>}, {pipeline_mode = #tpu.pipeline_mode<synchronous>, transform_indices = @transform_1, window_bounds = array<i64: 64, 1024>}, {pipeline_mode = #tpu.pipeline_mode<synchronous>, transform_indices = @transform_2, window_bounds = array<i64: 512, 64>}, {pipeline_mode = #tpu.pipeline_mode<synchronous>, transform_indices = @transform_3, window_bounds = array<i64: 96, 1>}, {pipeline_mode = #tpu.pipeline_mode<synchronous>, transform_indices = @transform_4, window_bounds = array<i64: 512, 1>}, {pipeline_mode = #tpu.pipeline_mode<synchronous>, transform_indices = @transform_5, window_bounds = array<i64: 512, 1>}, {transform_indices = @transform_6, window_bounds = array<i64: 512, 1024>}, {transform_indices = @transform_7, window_bounds = array<i64: 512, 1>}]} {
    %eq3A = arith.constant 0 : i32
    %eq3A_0 = arith.cmpi eq, %arg0, %eq3A : i32
    %convert_element_type3A = arith.extui %eq3A_0 : i1 to i32
    %cond3A = arith.constant 0 : i32
    %cond3A_1 = arith.cmpi ne, %convert_element_type3A, %cond3A : i32
    scf.if %cond3A_1 {
      %get3A_45 = arith.constant 0 : index
      %get3A_46 = arith.constant 0 : index
      %get3A_47 = vector.load %arg1[%get3A_45, %get3A_46] : memref<512x1024xf32, #tpu.memory_space<vmem>>, vector<512x1024xf32>
      %get3A_48 = arith.constant 0 : index
      %get3A_49 = arith.constant 0 : index
      %get3A_50 = vector.load %arg2[%get3A_48, %get3A_49] : memref<64x1024xf32, #tpu.memory_space<vmem>>, vector<64x1024xf32>
      %dot_general3A_51 = arith.constant dense<0.000000e+00> : vector<512x64xf32>
      %dot_general3A_52 = tpu.matmul %get3A_47, %get3A_50, %dot_general3A_51 {dimension_numbers = #tpu.dot_dimension_numbers<[1], [1], [0], [0], [0, 0, 1, 0], [], []>, transpose_lhs_hint = false} : vector<512x1024xf32>, vector<64x1024xf32>, vector<512x64xf32> -> vector<512x64xf32>
      %swap3A_53 = arith.constant 0 : index
      %swap3A_54 = arith.constant 0 : index
      %swap3A_55 = vector.load %arg3[%swap3A_53, %swap3A_54] : memref<512x64xf32, #tpu.memory_space<vmem>>, vector<512x64xf32>
      tpu.vector_store %arg3[%swap3A_53, %swap3A_54], %dot_general3A_52 {strides = array<i32>} : memref<512x64xf32, #tpu.memory_space<vmem>>, vector<512x64xf32>,
      %reduce_max3A = arith.constant dense<0xFF800000> : vector<512xf32>
      %reduce_max3A_56 = vector.multi_reduction <maximumf>, %dot_general3A_52, %reduce_max3A [1] : vector<512x64xf32> to vector<512xf32>
      %broadcast_in_dim3A_57 = vector.shape_cast %reduce_max3A_56 : vector<512xf32> to vector<512x1xf32>
      %sub3A = vector.broadcast %broadcast_in_dim3A_57 : vector<512x1xf32> to vector<512x64xf32>
      %sub3A_58 = arith.subf %dot_general3A_52, %sub3A : vector<512x64xf32>
      %exp3A = math.exp %sub3A_58 : vector<512x64xf32>
      %reduce_sum3A_59 = arith.constant dense<0.000000e+00> : vector<512xf32>
      %reduce_sum3A_60 = vector.multi_reduction <add>, %exp3A, %reduce_sum3A_59 [1] : vector<512x64xf32> to vector<512xf32>
      %broadcast_in_dim3A_61 = vector.shape_cast %reduce_sum3A_60 : vector<512xf32> to vector<512x1xf32>
      %div3A = vector.broadcast %broadcast_in_dim3A_61 : vector<512x1xf32> to vector<512x64xf32>
      %div3A_62 = arith.divf %exp3A, %div3A : vector<512x64xf32>
      %iota3A_63 = tpu.iota {dimensions = array<i32: 1>} : vector<512x64xi32>
      %convert_element_type3A_64 = arith.sitofp %iota3A_63 : vector<512x64xi32> to vector<512x64xf32>
      %reduce_max3A_65 = arith.constant dense<0xFF800000> : vector<512xf32>
      %reduce_max3A_66 = vector.multi_reduction <maximumf>, %div3A_62, %reduce_max3A_65 [1] : vector<512x64xf32> to vector<512xf32>
      %broadcast_in_dim3A_67 = vector.shape_cast %reduce_max3A_66 : vector<512xf32> to vector<512x1xf32>
      %eq3A_68 = vector.broadcast %broadcast_in_dim3A_67 : vector<512x1xf32> to vector<512x64xf32>
      %eq3A_69 = arith.cmpf oeq, %div3A_62, %eq3A_68 : vector<512x64xf32>
      %jit3A = arith.constant 6.400000e+01 : f32
      %broadcast_in_dim3A_70 = vector.broadcast %jit3A : f32 to vector<512x64xf32>
      %select_n3A = arith.select %eq3A_69, %convert_element_type3A_64, %broadcast_in_dim3A_70 : vector<512x64xi1>, vector<512x64xf32>
      %reduce_min3A = arith.constant dense<0x7F800000> : vector<512xf32>
      %reduce_min3A_71 = vector.multi_reduction <minimumf>, %select_n3A, %reduce_min3A [1] : vector<512x64xf32> to vector<512xf32>
      %broadcast_in_dim3A_72 = vector.shape_cast %reduce_min3A_71 : vector<512xf32> to vector<512x1xf32>
      %eq3A_73 = vector.broadcast %broadcast_in_dim3A_72 : vector<512x1xf32> to vector<512x64xf32>
      %eq3A_74 = arith.cmpf oeq, %convert_element_type3A_64, %eq3A_73 : vector<512x64xf32>
      %convert_element_type3A_75 = arith.extui %eq3A_74 : vector<512x64xi1> to vector<512x64xi32>
      %convert_element_type3A_76 = arith.sitofp %convert_element_type3A_75 : vector<512x64xi32> to vector<512x64xf32>
      %gt3A = arith.constant 0.000000e+00 : f32
      %gt3A_77 = vector.broadcast %gt3A : f32 to vector<512x64xf32>
      %gt3A_78 = arith.cmpf ogt, %convert_element_type3A_76, %gt3A_77 : vector<512x64xf32>
      %jit3A_79 = arith.constant -1.000000e+00 : f32
      %broadcast_in_dim3A_80 = vector.broadcast %jit3A_79 : f32 to vector<512x64xf32>
      %select_n3A_81 = arith.select %gt3A_78, %broadcast_in_dim3A_80, %div3A_62 : vector<512x64xi1>, vector<512x64xf32>
      %reduce_max3A_82 = arith.constant dense<0xFF800000> : vector<512xf32>
      %reduce_max3A_83 = vector.multi_reduction <maximumf>, %select_n3A_81, %reduce_max3A_82 [1] : vector<512x64xf32> to vector<512xf32>
      %broadcast_in_dim3A_84 = vector.shape_cast %reduce_max3A_83 : vector<512xf32> to vector<512x1xf32>
      %eq3A_85 = vector.broadcast %broadcast_in_dim3A_84 : vector<512x1xf32> to vector<512x64xf32>
      %eq3A_86 = arith.cmpf oeq, %select_n3A_81, %eq3A_85 : vector<512x64xf32>
      %jit3A_87 = arith.constant 6.400000e+01 : f32
      %broadcast_in_dim3A_88 = vector.broadcast %jit3A_87 : f32 to vector<512x64xf32>
      %select_n3A_89 = arith.select %eq3A_86, %convert_element_type3A_64, %broadcast_in_dim3A_88 : vector<512x64xi1>, vector<512x64xf32>
      %reduce_min3A_90 = arith.constant dense<0x7F800000> : vector<512xf32>
      %reduce_min3A_91 = vector.multi_reduction <minimumf>, %select_n3A_89, %reduce_min3A_90 [1] : vector<512x64xf32> to vector<512xf32>
      %broadcast_in_dim3A_92 = vector.shape_cast %reduce_min3A_91 : vector<512xf32> to vector<512x1xf32>
      %eq3A_93 = vector.broadcast %broadcast_in_dim3A_92 : vector<512x1xf32> to vector<512x64xf32>
      %eq3A_94 = arith.cmpf oeq, %convert_element_type3A_64, %eq3A_93 : vector<512x64xf32>
      %convert_element_type3A_95 = arith.extui %eq3A_94 : vector<512x64xi1> to vector<512x64xi32>
      %convert_element_type3A_96 = arith.sitofp %convert_element_type3A_95 : vector<512x64xi32> to vector<512x64xf32>
      %add3A_97 = arith.addf %broadcast_in_dim3A_67, %broadcast_in_dim3A_84 : vector<512x1xf32>
      %div3A_98 = arith.divf %broadcast_in_dim3A_67, %add3A_97 : vector<512x1xf32>
      %div3A_99 = arith.divf %broadcast_in_dim3A_84, %add3A_97 : vector<512x1xf32>
      %concatenate3A = tpu.concatenate %convert_element_type3A_76, %convert_element_type3A_96 in 0 : vector<512x64xf32>, vector<512x64xf32> -> vector<1024x64xf32>
      %concatenate3A_100 = tpu.concatenate %div3A_98, %div3A_99 in 0 : vector<512x1xf32>, vector<512x1xf32> -> vector<1024x1xf32>
      %reduce_sum3A_101 = arith.constant dense<0.000000e+00> : vector<64xf32>
      %reduce_sum3A_102 = vector.multi_reduction <add>, %concatenate3A, %reduce_sum3A_101 [0] : vector<1024x64xf32> to vector<64xf32>
      %broadcast_in_dim3A_103 = vector.shape_cast %reduce_sum3A_102 : vector<64xf32> to vector<1x64xf32>
      %add3A_104 = arith.constant 3.100000e+01 : f32
      %add3A_105 = vector.broadcast %add3A_104 : f32 to vector<1x64xf32>
      %add3A_106 = arith.addf %broadcast_in_dim3A_103, %add3A_105 : vector<1x64xf32>
      %mul3A_107 = arith.constant 3.125000e-02 : f32
      %mul3A_108 = vector.broadcast %mul3A_107 : f32 to vector<1x64xf32>
      %mul3A_109 = arith.mulf %add3A_106, %mul3A_108 : vector<1x64xf32>
      %floor3A = math.floor %mul3A_109 : vector<1x64xf32>
      %iota3A_110 = tpu.iota {dimensions = array<i32: 0>} : vector<64x64xi32>
      %convert_element_type3A_111 = arith.sitofp %iota3A_110 : vector<64x64xi32> to vector<64x64xf32>
      %iota3A_112 = tpu.iota {dimensions = array<i32: 1>} : vector<64x64xi32>
      %convert_element_type3A_113 = arith.sitofp %iota3A_112 : vector<64x64xi32> to vector<64x64xf32>
      %lt3A = arith.cmpf olt, %convert_element_type3A_111, %convert_element_type3A_113 : vector<64x64xf32>
      %convert_element_type3A_114 = arith.extui %lt3A : vector<64x64xi1> to vector<64x64xi32>
      %convert_element_type3A_115 = arith.sitofp %convert_element_type3A_114 : vector<64x64xi32> to vector<64x64xf32>
      %broadcast_in_dim3A_116 = vector.shape_cast %floor3A : vector<1x64xf32> to vector<1x64xf32>
      %broadcast_in_dim3A_117 = vector.broadcast %broadcast_in_dim3A_116 : vector<1x64xf32> to vector<8x64xf32>
      %dot_general3A_118 = arith.constant dense<0.000000e+00> : vector<8x64xf32>
      %dot_general3A_119 = tpu.matmul %broadcast_in_dim3A_117, %convert_element_type3A_115, %dot_general3A_118 {dimension_numbers = #tpu.dot_dimension_numbers<[1], [0], [0], [1], [0, 0, 1, 1], [], []>, transpose_lhs_hint = false} : vector<8x64xf32>, vector<64x64xf32>, vector<8x64xf32> -> vector<8x64xf32>
      %slice3A = vector.extract_strided_slice %dot_general3A_119 {offsets = [0, 0], sizes = [1, 64], strides = [1, 1]} : vector<8x64xf32> to vector<1x64xf32>
      %add3A_120 = arith.addf %slice3A, %floor3A : vector<1x64xf32>
      %iota3A_121 = tpu.iota {dimensions = array<i32: 0>} : vector<96x64xi32>
      %convert_element_type3A_122 = arith.sitofp %iota3A_121 : vector<96x64xi32> to vector<96x64xf32>
      %broadcast_in_dim3A_123 = vector.shape_cast %add3A_120 : vector<1x64xf32> to vector<1x64xf32>
      %broadcast_in_dim3A_124 = vector.broadcast %broadcast_in_dim3A_123 : vector<1x64xf32> to vector<96x64xf32>
      %le3A = arith.cmpf ole, %broadcast_in_dim3A_124, %convert_element_type3A_122 : vector<96x64xf32>
      %convert_element_type3A_125 = arith.extui %le3A : vector<96x64xi1> to vector<96x64xi32>
      %convert_element_type3A_126 = arith.sitofp %convert_element_type3A_125 : vector<96x64xi32> to vector<96x64xf32>
      %reduce_sum3A_127 = arith.constant dense<0.000000e+00> : vector<96xf32>
      %reduce_sum3A_128 = vector.multi_reduction <add>, %convert_element_type3A_126, %reduce_sum3A_127 [1] : vector<96x64xf32> to vector<96xf32>
      %broadcast_in_dim3A_129 = vector.shape_cast %reduce_sum3A_128 : vector<96xf32> to vector<96x1xf32>
      %min3A = arith.constant 6.300000e+01 : f32
      %min3A_130 = vector.broadcast %min3A : f32 to vector<96x1xf32>
      %min3A_131 = arith.minimumf %broadcast_in_dim3A_129, %min3A_130 : vector<96x1xf32>
      %convert_element_type3A_132 = arith.fptosi %min3A_131 : vector<96x1xf32> to vector<96x1xi32>
      %swap3A_133 = arith.constant 0 : index
      %swap3A_134 = arith.constant 0 : index
      %swap3A_135 = vector.load %arg4[%swap3A_133, %swap3A_134] : memref<96x1xi32, #tpu.memory_space<vmem>>, vector<96x1xi32>
      tpu.vector_store %arg4[%swap3A_133, %swap3A_134], %convert_element_type3A_132 {strides = array<i32>} : memref<96x1xi32, #tpu.memory_space<vmem>>, vector<96x1xi32>,
      %iota3A_136 = tpu.iota {dimensions = array<i32: 0>} : vector<1024x1024xi32>
      %convert_element_type3A_137 = arith.sitofp %iota3A_136 : vector<1024x1024xi32> to vector<1024x1024xf32>
      %iota3A_138 = tpu.iota {dimensions = array<i32: 1>} : vector<1024x1024xi32>
      %convert_element_type3A_139 = arith.sitofp %iota3A_138 : vector<1024x1024xi32> to vector<1024x1024xf32>
      %ge3A = arith.cmpf oge, %convert_element_type3A_137, %convert_element_type3A_139 : vector<1024x1024xf32>
      %convert_element_type3A_140 = arith.extui %ge3A : vector<1024x1024xi1> to vector<1024x1024xi32>
      %convert_element_type3A_141 = arith.sitofp %convert_element_type3A_140 : vector<1024x1024xi32> to vector<1024x1024xf32>
      %dot_general3A_142 = arith.constant dense<0.000000e+00> : vector<1024x64xf32>
      %dot_general3A_143 = tpu.matmul %convert_element_type3A_141, %concatenate3A, %dot_general3A_142 {dimension_numbers = #tpu.dot_dimension_numbers<[1], [0], [0], [1], [0, 0, 1, 1], [], []>, transpose_lhs_hint = false} : vector<1024x1024xf32>, vector<1024x64xf32>, vector<1024x64xf32> -> vector<1024x64xf32>
      %mul3A_144 = arith.constant 3.200000e+01 : f32
      %mul3A_145 = vector.broadcast %mul3A_144 : f32 to vector<1x64xf32>
      %mul3A_146 = arith.mulf %slice3A, %mul3A_145 : vector<1x64xf32>
      %sub3A_147 = arith.constant 1.000000e+00 : f32
      %sub3A_148 = vector.broadcast %sub3A_147 : f32 to vector<1024x64xf32>
      %sub3A_149 = arith.subf %dot_general3A_143, %sub3A_148 : vector<1024x64xf32>
      %broadcast_in_dim3A_150 = vector.shape_cast %mul3A_146 : vector<1x64xf32> to vector<1x64xf32>
      %broadcast_in_dim3A_151 = vector.broadcast %broadcast_in_dim3A_150 : vector<1x64xf32> to vector<1024x64xf32>
      %add3A_152 = arith.addf %sub3A_149, %broadcast_in_dim3A_151 : vector<1024x64xf32>
      %mul3A_153 = arith.mulf %concatenate3A, %add3A_152 : vector<1024x64xf32>
      %reduce_sum3A_154 = arith.constant dense<0.000000e+00> : vector<1024xf32>
      %reduce_sum3A_155 = vector.multi_reduction <add>, %mul3A_153, %reduce_sum3A_154 [1] : vector<1024x64xf32> to vector<1024xf32>
      %broadcast_in_dim3A_156 = vector.shape_cast %reduce_sum3A_155 : vector<1024xf32> to vector<1024x1xf32>
      %slice3A_157 = vector.extract_strided_slice %broadcast_in_dim3A_156 {offsets = [0, 0], sizes = [512, 1], strides = [1, 1]} : vector<1024x1xf32> to vector<512x1xf32>
      %convert_element_type3A_158 = arith.fptosi %slice3A_157 : vector<512x1xf32> to vector<512x1xi32>
      %swap3A_159 = arith.constant 0 : index
      %swap3A_160 = arith.constant 0 : index
      %swap3A_161 = vector.load %arg5[%swap3A_159, %swap3A_160] : memref<512x1xi32, #tpu.memory_space<vmem>>, vector<512x1xi32>
      tpu.vector_store %arg5[%swap3A_159, %swap3A_160], %convert_element_type3A_158 {strides = array<i32>} : memref<512x1xi32, #tpu.memory_space<vmem>>, vector<512x1xi32>,
      %slice3A_162 = vector.extract_strided_slice %broadcast_in_dim3A_156 {offsets = [512, 0], sizes = [512, 1], strides = [1, 1]} : vector<1024x1xf32> to vector<512x1xf32>
      %convert_element_type3A_163 = arith.fptosi %slice3A_162 : vector<512x1xf32> to vector<512x1xi32>
      %swap3A_164 = arith.constant 0 : index
      %swap3A_165 = arith.constant 0 : index
      %swap3A_166 = vector.load %arg6[%swap3A_164, %swap3A_165] : memref<512x1xi32, #tpu.memory_space<vmem>>, vector<512x1xi32>
      tpu.vector_store %arg6[%swap3A_164, %swap3A_165], %convert_element_type3A_163 {strides = array<i32>} : memref<512x1xi32, #tpu.memory_space<vmem>>, vector<512x1xi32>,
      %iota3A_167 = tpu.iota {dimensions = array<i32: 0>} : vector<1024x512xi32>
      %iota3A_168 = tpu.iota {dimensions = array<i32: 1>} : vector<1024x512xi32>
      %eq3A_169 = arith.cmpi eq, %iota3A_167, %iota3A_168 : vector<1024x512xi32>
      %convert_element_type3A_170 = arith.extui %eq3A_169 : vector<1024x512xi1> to vector<1024x512xi32>
      %convert_element_type3A_171 = arith.sitofp %convert_element_type3A_170 : vector<1024x512xi32> to vector<1024x512xf32>
      %sub3A_172 = arith.constant 512 : i32
      %sub3A_173 = vector.broadcast %sub3A_172 : i32 to vector<1024x512xi32>
      %sub3A_174 = arith.subi %iota3A_167, %sub3A_173 : vector<1024x512xi32>
      %eq3A_175 = arith.cmpi eq, %sub3A_174, %iota3A_168 : vector<1024x512xi32>
      %convert_element_type3A_176 = arith.extui %eq3A_175 : vector<1024x512xi1> to vector<1024x512xi32>
      %convert_element_type3A_177 = arith.sitofp %convert_element_type3A_176 : vector<1024x512xi32> to vector<1024x512xf32>
      %dot_general3A_178 = arith.constant dense<0.000000e+00> : vector<1x512xf32>
      %dot_general3A_179 = tpu.matmul %broadcast_in_dim3A_156, %convert_element_type3A_171, %dot_general3A_178 {dimension_numbers = #tpu.dot_dimension_numbers<[0], [0], [1], [1], [0, 1, 1, 1], [], []>, precision = #tpu.contract_precision<fp32>, transpose_lhs_hint = false} : vector<1024x1xf32>, vector<1024x512xf32>, vector<1x512xf32> -> vector<1x512xf32>
      %swap3A_180 = arith.constant 0 : index
      %swap3A_181 = arith.constant 0 : index
      %swap3A_182 = vector.load %arg9[%swap3A_180, %swap3A_181] : memref<1x512xf32, #tpu.memory_space<vmem>>, vector<1x512xf32>
      tpu.vector_store %arg9[%swap3A_180, %swap3A_181], %dot_general3A_179 {strides = array<i32>} : memref<1x512xf32, #tpu.memory_space<vmem>>, vector<1x512xf32>,
      %dot_general3A_183 = arith.constant dense<0.000000e+00> : vector<1x512xf32>
      %dot_general3A_184 = tpu.matmul %broadcast_in_dim3A_156, %convert_element_type3A_177, %dot_general3A_183 {dimension_numbers = #tpu.dot_dimension_numbers<[0], [0], [1], [1], [0, 1, 1, 1], [], []>, precision = #tpu.contract_precision<fp32>, transpose_lhs_hint = false} : vector<1024x1xf32>, vector<1024x512xf32>, vector<1x512xf32> -> vector<1x512xf32>
      %swap3A_185 = arith.constant 0 : index
      %swap3A_186 = arith.constant 0 : index
      %swap3A_187 = vector.load %arg10[%swap3A_185, %swap3A_186] : memref<1x512xf32, #tpu.memory_space<vmem>>, vector<1x512xf32>
      tpu.vector_store %arg10[%swap3A_185, %swap3A_186], %dot_general3A_184 {strides = array<i32>} : memref<1x512xf32, #tpu.memory_space<vmem>>, vector<1x512xf32>,
      %dot_general3A_188 = arith.constant dense<0.000000e+00> : vector<1x512xf32>
      %dot_general3A_189 = tpu.matmul %concatenate3A_100, %convert_element_type3A_171, %dot_general3A_188 {dimension_numbers = #tpu.dot_dimension_numbers<[0], [0], [1], [1], [0, 1, 1, 1], [], []>, precision = #tpu.contract_precision<fp32>, transpose_lhs_hint = false} : vector<1024x1xf32>, vector<1024x512xf32>, vector<1x512xf32> -> vector<1x512xf32>
      %swap3A_190 = arith.constant 0 : index
      %swap3A_191 = arith.constant 0 : index
      %swap3A_192 = vector.load %arg11[%swap3A_190, %swap3A_191] : memref<1x512xf32, #tpu.memory_space<vmem>>, vector<1x512xf32>
      tpu.vector_store %arg11[%swap3A_190, %swap3A_191], %dot_general3A_189 {strides = array<i32>} : memref<1x512xf32, #tpu.memory_space<vmem>>, vector<1x512xf32>,
      %dot_general3A_193 = arith.constant dense<0.000000e+00> : vector<1x512xf32>
      %dot_general3A_194 = tpu.matmul %concatenate3A_100, %convert_element_type3A_177, %dot_general3A_193 {dimension_numbers = #tpu.dot_dimension_numbers<[0], [0], [1], [1], [0, 1, 1, 1], [], []>, precision = #tpu.contract_precision<fp32>, transpose_lhs_hint = false} : vector<1024x1xf32>, vector<1024x512xf32>, vector<1x512xf32> -> vector<1x512xf32>
      %swap3A_195 = arith.constant 0 : index
      %swap3A_196 = arith.constant 0 : index
      %swap3A_197 = vector.load %arg12[%swap3A_195, %swap3A_196] : memref<1x512xf32, #tpu.memory_space<vmem>>, vector<1x512xf32>
      tpu.vector_store %arg12[%swap3A_195, %swap3A_196], %dot_general3A_194 {strides = array<i32>} : memref<1x512xf32, #tpu.memory_space<vmem>>, vector<1x512xf32>,
    } else {
    }
    %get3A = arith.constant 0 : index
    %get3A_2 = arith.constant 0 : index
    %get3A_3 = vector.load %arg9[%get3A, %get3A_2] : memref<1x512xf32, #tpu.memory_space<vmem>>, vector<1x512xf32>
    %broadcast_in_dim3A = vector.shape_cast %get3A_3 : vector<1x512xf32> to vector<1x512xf32>
    %broadcast_in_dim3A_4 = vector.broadcast %broadcast_in_dim3A : vector<1x512xf32> to vector<512x512xf32>
    %get3A_5 = arith.constant 0 : index
    %get3A_6 = arith.constant 0 : index
    %get3A_7 = vector.load %arg10[%get3A_5, %get3A_6] : memref<1x512xf32, #tpu.memory_space<vmem>>, vector<1x512xf32>
    %broadcast_in_dim3A_8 = vector.shape_cast %get3A_7 : vector<1x512xf32> to vector<1x512xf32>
    %broadcast_in_dim3A_9 = vector.broadcast %broadcast_in_dim3A_8 : vector<1x512xf32> to vector<512x512xf32>
    %mul3A = arith.constant 512 : i32
    %mul3A_10 = arith.muli %arg0, %mul3A : i32
    %convert_element_type3A_11 = arith.sitofp %mul3A_10 : i32 to f32
    %iota3A = tpu.iota {dimensions = array<i32: 0>} : vector<512x512xi32>
    %convert_element_type3A_12 = arith.sitofp %iota3A : vector<512x512xi32> to vector<512x512xf32>
    %add3A = vector.broadcast %convert_element_type3A_11 : f32 to vector<512x512xf32>
    %add3A_13 = arith.addf %convert_element_type3A_12, %add3A : vector<512x512xf32>
    %eq3A_14 = arith.cmpf oeq, %add3A_13, %broadcast_in_dim3A_4 : vector<512x512xf32>
    %convert_element_type3A_15 = arith.extui %eq3A_14 : vector<512x512xi1> to vector<512x512xi32>
    %convert_element_type3A_16 = arith.sitofp %convert_element_type3A_15 : vector<512x512xi32> to vector<512x512xf32>
    %eq3A_17 = arith.cmpf oeq, %add3A_13, %broadcast_in_dim3A_9 : vector<512x512xf32>
    %convert_element_type3A_18 = arith.extui %eq3A_17 : vector<512x512xi1> to vector<512x512xi32>
    %convert_element_type3A_19 = arith.sitofp %convert_element_type3A_18 : vector<512x512xi32> to vector<512x512xf32>
    %add3A_20 = arith.addf %convert_element_type3A_16, %convert_element_type3A_19 : vector<512x512xf32>
    %get3A_21 = arith.constant 0 : index
    %get3A_22 = arith.constant 0 : index
    %get3A_23 = vector.load %arg1[%get3A_21, %get3A_22] : memref<512x1024xf32, #tpu.memory_space<vmem>>, vector<512x1024xf32>
    %dot_general3A = arith.constant dense<0.000000e+00> : vector<512x1024xf32>
    %dot_general3A_24 = tpu.matmul %add3A_20, %get3A_23, %dot_general3A {dimension_numbers = #tpu.dot_dimension_numbers<[1], [0], [0], [1], [0, 0, 1, 1], [], []>, transpose_lhs_hint = false} : vector<512x512xf32>, vector<512x1024xf32>, vector<512x1024xf32> -> vector<512x1024xf32>
    %swap3A = arith.constant 0 : index
    %swap3A_25 = arith.constant 0 : index
    %swap3A_26 = vector.load %arg7[%swap3A, %swap3A_25] : memref<512x1024xf32, #tpu.memory_space<vmem>>, vector<512x1024xf32>
    tpu.vector_store %arg7[%swap3A, %swap3A_25], %dot_general3A_24 {strides = array<i32>} : memref<512x1024xf32, #tpu.memory_space<vmem>>, vector<512x1024xf32>,
    %get3A_27 = arith.constant 0 : index
    %get3A_28 = arith.constant 0 : index
    %get3A_29 = vector.load %arg11[%get3A_27, %get3A_28] : memref<1x512xf32, #tpu.memory_space<vmem>>, vector<1x512xf32>
    %broadcast_in_dim3A_30 = vector.shape_cast %get3A_29 : vector<1x512xf32> to vector<1x512xf32>
    %broadcast_in_dim3A_31 = vector.broadcast %broadcast_in_dim3A_30 : vector<1x512xf32> to vector<512x512xf32>
    %get3A_32 = arith.constant 0 : index
    %get3A_33 = arith.constant 0 : index
    %get3A_34 = vector.load %arg12[%get3A_32, %get3A_33] : memref<1x512xf32, #tpu.memory_space<vmem>>, vector<1x512xf32>
    %broadcast_in_dim3A_35 = vector.shape_cast %get3A_34 : vector<1x512xf32> to vector<1x512xf32>
    %broadcast_in_dim3A_36 = vector.broadcast %broadcast_in_dim3A_35 : vector<1x512xf32> to vector<512x512xf32>
    %mul3A_37 = arith.mulf %convert_element_type3A_16, %broadcast_in_dim3A_31 : vector<512x512xf32>
    %mul3A_38 = arith.mulf %convert_element_type3A_19, %broadcast_in_dim3A_36 : vector<512x512xf32>
    %add3A_39 = arith.addf %mul3A_37, %mul3A_38 : vector<512x512xf32>
    %reduce_sum3A = arith.constant dense<0.000000e+00> : vector<512xf32>
    %reduce_sum3A_40 = vector.multi_reduction <add>, %add3A_39, %reduce_sum3A [1] : vector<512x512xf32> to vector<512xf32>
    %broadcast_in_dim3A_41 = vector.shape_cast %reduce_sum3A_40 : vector<512xf32> to vector<512x1xf32>
    %swap3A_42 = arith.constant 0 : index
    %swap3A_43 = arith.constant 0 : index
    %swap3A_44 = vector.load %arg8[%swap3A_42, %swap3A_43] : memref<512x1xf32, #tpu.memory_space<vmem>>, vector<512x1xf32>
    tpu.vector_store %arg8[%swap3A_42, %swap3A_43], %broadcast_in_dim3A_41 {strides = array<i32>} : memref<512x1xf32, #tpu.memory_space<vmem>>, vector<512x1xf32>,
    return
  }
  func.func @transform_0(%arg0: i32) -> (i32, i32) {
    %c0_i32 = arith.constant 0 : i32
    %c0_i32_0 = arith.constant 0 : i32
    %c0_i32_1 = arith.constant 0 : i32
    return %c0_i32, %c0_i32_0 : i32, i32
  }
  func.func @transform_1(%arg0: i32) -> (i32, i32) {
    %c0_i32 = arith.constant 0 : i32
    %c0_i32_0 = arith.constant 0 : i32
    %c0_i32_1 = arith.constant 0 : i32
    return %c0_i32, %c0_i32_0 : i32, i32
  }
  func.func @transform_2(%arg0: i32) -> (i32, i32) {
    %c0_i32 = arith.constant 0 : i32
    %c0_i32_0 = arith.constant 0 : i32
    %c0_i32_1 = arith.constant 0 : i32
    return %c0_i32, %c0_i32_0 : i32, i32
  }
  func.func @transform_3(%arg0: i32) -> (i32, i32) {
    %c0_i32 = arith.constant 0 : i32
    %c0_i32_0 = arith.constant 0 : i32
    %c0_i32_1 = arith.constant 0 : i32
    return %c0_i32, %c0_i32_0 : i32, i32
  }
  func.func @transform_4(%arg0: i32) -> (i32, i32) {
    %c0_i32 = arith.constant 0 : i32
    %c0_i32_0 = arith.constant 0 : i32
    %c0_i32_1 = arith.constant 0 : i32
    return %c0_i32, %c0_i32_0 : i32, i32
  }
  func.func @transform_5(%arg0: i32) -> (i32, i32) {
    %c0_i32 = arith.constant 0 : i32
    %c0_i32_0 = arith.constant 0 : i32
    %c0_i32_1 = arith.constant 0 : i32
    return %c0_i32, %c0_i32_0 : i32, i32
  }
  func.func @transform_6(%arg0: i32) -> (i32, i32) {
    %c0_i32 = arith.constant 0 : i32
    %c0_i32_0 = arith.constant 0 : i32
    return %arg0, %c0_i32 : i32, i32
  }
  func.func @transform_7(%arg0: i32) -> (i32, i32) {
    %c0_i32 = arith.constant 0 : i32
    %c0_i32_0 = arith.constant 0 : i32
    return %arg0, %c0_i32 : i32, i32
  }
}

</mosaic_0001>

<sc_bundles>
// kernel: kernel.5.cloned.1.call-start
scs
__scs_entry_jumppad:
0x0: {  	(pc) =	sbr.rel $0x88, $3  }
0x1: {  	(tag) =	ssettag $0x0;
	lr =	simm.s32 $0x1  }
0x2: {  	[smem:$0x3F9C] =	sst lr;
	_ =	strace $0xD0000000  }
0x3: {  	_ = 	snop  }
0x4: {  	_ = 	snop  }
0x5: {  	_ = 	snop  }
0x6: {  	_ = 	snop  }
0x7: {  	_ = 	snop  }
__scs_overlays_trampoline_lowered:
0x8: {  	[smem:$0x3FAB] =	sst s0  }
0x9: {  	[smem:$0x3FAC] =	sst s1  }
0xa: {  	[smem:$0x3FAD] =	sst s2  }
0xb: {  	[smem:$0x3FAE] =	sst s3  }
0xc: {  	[smem:$0x3FAF] =	sst s4  }
0xd: {  	[smem:$0x3FB0] =	sst s5  }
0xe: {  	[smem:$0x3FB1] =	sst s6  }
0xf: {  	[smem:$0x3FB2] =	sst s7  }
0x10: {  	[smem:$0x3FB3] =	sst s8  }
0x11: {  	[smem:$0x3FB4] =	sst s9;
	s0 =	simm.s32 @!p0 $0x0  }
0x12: {  	s1 =	sld [smem:$0x3F9A];
	s0 =	simm.s32 @p0 $0x1  }
0x13: {  	[smem:$0x3FB5] =	sst s0;
	s0 =	simm.s32 @!p1 $0x0  }
0x14: {  	s2 =	sld [smem:$0x3F99];
	s0 =	simm.s32 @p1 $0x1  }
0x15: {  	[smem:$0x3FB6] =	sst s0;
	s0 =	simm.s32 @!p2 $0x0  }
0x16: {  	s3 =	sld [smem:$0x3FDB];
	s0 =	simm.s32 @p2 $0x1  }
0x17: {  	s4 =	simm.s32 $0x1BF5;
	[smem:$0x3FB8] =	sst s0  }
0x18: {  	s0 =	sld [smem:$0x3F9B];
	_ =	swait.ge [sflag:s4], $0x0  }
0x19: {  	s7 =	sld [smem:$0x3F9C]  }
0x1a: {  	s8 =	sadd.s32 $0xFFFFE003, lr  }
0x1b: {  	s9 =	sadd.s32 $0xFFFFFEF7, lr;
	s5 =	simm.s32 $0xFFFFFFFF;
	p2 =	slt.u32 s8, $0xFFFFF086  }
0x1c: {  	p1 =	slt.u32 s9, $0xF7A;
	s5 =	simm.s32 @!p2 $0x0  }
0x1d: {  	s5 =	simm.s32 @p1 $0x1;
	p0 =	seq.s32 s7, s2  }
0x1e: {  	s7 =	smul.u32 @!p0 $0xF7A, s2;
	p2 =	seq.s32 @!p0 s5, $0x0  }
0x1f: {  	s9 =	smul.u32 $0xF7A, s1;
	s8 =	simm.s32 @!p0 $0x1BF5;
	p2 =	por !p2, p0  }
0x20: {  	[sflag:s8] =	ssyncset.s32 @!p0 $0xFFFFF086;
	s6 =	sadd.s32 @!p0 s3, s7;
	s7 =	simm.s32 @!p0 $0x108  }
0x21: {  	s3 =	sadd.s32 s3, s9;
	s6 =	sadd.s32 @!p0 $0x88, s6;
	s7 =	simm.s32 @p2 $0x1082  }
0x22: {  	[simem:s7], [sflag:s8] =	dma.local @!p0 [hbm:s6], $0xF7A  }
0x23: {  	s9 =	sor.u32 $0xD0000000, s2;
	s6 =	simm.s32 $0x108;
	_ =	swait.ge @!p0 [sflag:s8], $0x0  }
0x24: {  	s3 =	sadd.s32 $0x88, s3;
	s6 =	simm.s32 @!p1 $0x1082;
	[sflag:s4] =	ssyncset.s32 $0xFFFFF086  }
0x25: {  	[simem:s6], [sflag:s4] =	dma.local [hbm:s3], $0xF7A  }
0x26: {  	[smem:$0x3F9C] =	sst s1;
	(tag) =	ssettag s2;
	_ =	strace s9  }
0x27: {  	s1 =	sld [smem:$0x3FAC]  }
0x28: {  	s2 =	sld [smem:$0x3FAD]  }
0x29: {  	s4 =	sld [smem:$0x3FAF]  }
0x2a: {  	p0 =	seq.s32 s5, $0x0;
	s5 =	sld [smem:$0x3FB0]  }
0x2b: {  	s6 =	sld [smem:$0x3FB1]  }
0x2c: {  	s7 =	sld [smem:$0x3FB2]  }
0x2d: {  	s3 =	simm.s32 $0x108;
	s8 =	sld [smem:$0x3FB3]  }
0x2e: {  	s3 =	simm.s32 @!p0 $0x1082;
	s9 =	sld [smem:$0x3FB4]  }
0x2f: {  	lr =	sadd.s32 s0, s3;
	s0 =	sld [smem:$0x3FAB]  }
0x30: {  	s3 =	sld [smem:$0x3FAE]  }
0x31: {  	[smem:$0x3FB7] =	sst s10  }
0x32: {  	s10 =	sld [smem:$0x3FB5];
	_ =	sdelay $0x3  }
0x33: {  	p0 =	seq.s32 s10, $0x1;
	s10 =	sld [smem:$0x3FB7];
	_ =	sdelay $0x3  }
0x34: {  	[smem:$0x3FB7] =	sst s10  }
0x35: {  	s10 =	sld [smem:$0x3FB6];
	_ =	sdelay $0x3  }
0x36: {  	p1 =	seq.s32 s10, $0x1;
	s10 =	sld [smem:$0x3FB7];
	_ =	sdelay $0x3  }
0x37: {  	[smem:$0x3FB7] =	sst s10  }
0x38: {  	s10 =	sld [smem:$0x3FB8]  }
0x39: {  	_ = 	snop;
	(pc) =	sbr.ind lr, $3  }
0x3a: {  	_ = 	snop  }
0x3b: {  	_ = 	snop  }
0x3c: {  	p2 =	seq.s32 s10, $0x1;
	s10 =	sld [smem:$0x3FB7]  }
0x3d: {  	_ =	shalt  }
0x3e: {  	_ =	shalt  }
0x3f: {  	_ =	shalt  }
0x40: {  	_ =	shalt  }
0x41: {  	_ =	shalt  }
0x42: {  	_ =	shalt  }
0x43: {  	_ =	shalt  }
0x44: {  	_ =	shalt  }
0x45: {  	_ =	shalt  }
0x46: {  	_ =	shalt  }
0x47: {  	_ =	shalt  }
0x48: {  	_ =	shalt  }
0x49: {  	_ =	shalt  }
0x4a: {  	_ =	shalt  }
0x4b: {  	_ =	shalt  }
0x4c: {  	_ =	shalt  }
0x4d: {  	_ =	shalt  }
0x4e: {  	_ =	shalt  }
0x4f: {  	_ =	shalt  }
0x50: {  	_ =	shalt  }
0x51: {  	_ =	shalt  }
0x52: {  	_ =	shalt  }
0x53: {  	_ =	shalt  }
0x54: {  	_ =	shalt  }
0x55: {  	_ =	shalt  }
0x56: {  	_ =	shalt  }
0x57: {  	_ =	shalt  }
0x58: {  	_ =	shalt  }
0x59: {  	_ =	shalt  }
0x5a: {  	_ =	shalt  }
0x5b: {  	_ =	shalt  }
0x5c: {  	_ =	shalt  }
0x5d: {  	_ =	shalt  }
0x5e: {  	_ =	shalt  }
0x5f: {  	_ =	shalt  }
0x60: {  	_ =	shalt  }
0x61: {  	_ =	shalt  }
0x62: {  	_ =	shalt  }
0x63: {  	_ =	shalt  }
0x64: {  	_ =	shalt  }
0x65: {  	_ =	shalt  }
0x66: {  	_ =	shalt  }
0x67: {  	_ =	shalt  }
0x68: {  	_ =	shalt  }
0x69: {  	_ =	shalt  }
0x6a: {  	_ =	shalt  }
0x6b: {  	_ =	shalt  }
0x6c: {  	_ =	shalt  }
0x6d: {  	_ =	shalt  }
0x6e: {  	_ =	shalt  }
0x6f: {  	_ =	shalt  }
0x70: {  	_ =	shalt  }
0x71: {  	_ =	shalt  }
0x72: {  	_ =	shalt  }
0x73: {  	_ =	shalt  }
0x74: {  	_ =	shalt  }
0x75: {  	_ =	shalt  }
0x76: {  	_ =	shalt  }
0x77: {  	_ =	shalt  }
0x78: {  	_ =	shalt  }
0x79: {  	_ =	shalt  }
0x7a: {  	_ =	shalt  }
0x7b: {  	_ =	shalt  }
0x7c: {  	_ =	shalt  }
0x7d: {  	_ =	shalt  }
0x7e: {  	_ =	shalt  }
0x7f: {  	_ =	shalt  }
0x80: {  	_ =	shalt  }
0x81: {  	_ =	shalt  }
0x82: {  	_ =	shalt  }
0x83: {  	_ =	shalt  }
0x84: {  	_ =	shalt  }
0x85: {  	_ =	shalt  }
0x86: {  	_ =	shalt  }
0x87: {  	_ =	shalt  }
.Lfunc_end0:
.L_simem_size_0:
called_computation_lowered:
.L_overlay_start_0:
0x88: {  	s2 =	sld [smem:$0x3FD9]  }
0x89: {  	s3 =	sld [smem:$0x3FFE];
	_ =	sdelay $0x1  }
0x8a: {  	s1 =	srdreg.scid  }
0x8b: {  	s0 =	sand.u32 $0x1, s1  }
0x8c: {  	s14 =	sshll.u32 s0, $0xA;
	s2 =	sadd.s32 s3, s2  }
0x8d: {  	s2 =	sadd.s32 s2, s14  }
0x8e: {  	[smem:$0x3FC3] =	sst s2  }
0x8f: {  	_ = 	snop  }
0x90: {  	s2 =	sld [smem:$0x3FD0];
	_ =	sdelay $0x2  }
0x91: {  	s15 =	simm.s32 $0xA;
	s4 =	simm.s32 $0x10  }
0x92: {  	[smem:s4], [sflag:s15] =	dma.local [hbm:s2], $0x1  }
0x93: {  	_ =	swait.eq [sflag:s15], $0x1  }
0x94: {  	[sflag:s15] =	ssyncset.done $0x0  }
0x95: {  	[sflag:s15] =	ssyncadd.s32 $0xFFFFFFFF  }
0x96: {  	s16 =	sld [smem:$0x10];
	(tm) =	ssettm $0x1  }
0x97: {  	s17 =	sld [smem:$0x3FFB];
	_ =	sdelay $0x3  }
0x98: {  	_ =	strace s17  }
0x99: {  	s3 =	sld [smem:$0x3FFC];
	_ =	sdelay $0x3  }
0x9a: {  	_ =	strace s3  }
0x9b: {  	s3 =	sld [smem:$0x3FFD];
	_ =	sdelay $0x3  }
0x9c: {  	_ =	strace s3  }
0x9d: {  	_ =	strace $0x8FFFFFFF  }
0x9e: {  	s18 =	sld [smem:$0x3FDB];
	_ =	sdelay $0x1  }
0x9f: {  	s19 =	simm.s32 $_scs_section_size  }
0xa0: {  	s5 =	simm.s32 $_size__tile_overlayer_lowered;
	s6 =	simm.s32 $_tile_overlayer_lowered  }
0xa1: {  	s22 =	simm.s32 $0x1BFF;
	s21 =	sshll.u32 s6, $0x1;
	s3 =	sadd.s32 s19, s18  }
0xa2: {  	s7 =	simm.s32 $0x0;
	s20 =	sshll.u32 s5, $0x1;
	s5 =	sadd.s32 s21, s3  }
0xa3: {  	[timem:s7], [sflag:s22] =	dma.local [hbm:s5], s20  }
0xa4: {  	_ =	swait.ge [sflag:s22], s20  }
0xa5: {  	s4 =	ssub.s32 $0x0, s20;
	[sflag:s22] =	ssyncset.done $0x0  }
0xa6: {  	[sflag:s22] =	ssyncadd.s32 s4;
	_ =	sdelay $0x1  }
0xa7: {  	s23 =	simm.s32 $0x1B8B  }
0xa8: {  	_ =	swait.ge [sflag:s23], $0x1  }
0xa9: {  	[sflag:s23] =	ssyncset.done $0x0  }
0xaa: {  	s25 =	simm.s32 $0x1B8E;
	s24 =	sld [smem:$0x3FFE];
	[sflag:s23] =	ssyncadd.s32 $0xFFFFFFFF  }
0xab: {  	s26 =	simm.s32 $execute0_lowered;
	[smem:$0x3FD2] =	sst s25  }
0xac: {  	s5 =	sshll.u32 s26, $0x1;
	_ =	strace $0x80000046;
	[dreg:$0x1] =	wrdreg $0xFFFFFFFF  }
0xad: {  	s28 =	simm.s32 $_size_execute0_lowered;
	s3 =	sadd.s32 s3, s5;
	[dreg:$0x0] =	wrdreg $0x0  }
0xae: {  	s5 =	sshll.u32 s28, $0x1;
	[dreg:$0x2] =	wrdreg s3  }
0xaf: {  	[dreg:$0x3] =	wrdreg s5  }
0xb0: {  	[dreg:$0x4] =	wrdreg $0xC0  }
0xb1: {  	_ =	task [dreg:s7], $0x5FFFF  }
0xb2: {  	[dreg:$0x1] =	wrdreg $0xFFFFFFFF  }
0xb3: {  	[dreg:$0x0] =	wrdreg $0x60  }
0xb4: {  	[dreg:$0x2] =	wrdreg s24  }
0xb5: {  	[dreg:$0x3] =	wrdreg s16  }
0xb6: {  	[dreg:$0x4] =	wrdreg $0x9  }
0xb7: {  	_ =	task.clear_ibuf [dreg:s7], $0x5FFFF;
	_ =	strace $0x90000046  }
0xb8: {  	s29 =	simm.s32 $0x9;
	_ =	strace $0x80000048  }
0xb9: {  	_ =	swait.ge [sflag:s29], $0x1  }
0xba: {  	[sflag:s29] =	ssyncadd.s32 $0xFFFFFFFF  }
0xbb: {  	_ =	strace $0x90000048  }
0xbc: {  	_ =	sfence  }
0xbd: {  	s30 =	sld [smem:$0x0];
	_ =	sdelay $0x2  }
0xbe: {  	s31 =	sshll.u32 s1, $0xD;
	s1 =	sshrl.u32 s1, $0x2  }
0xbf: {  	s3 =	sand.u32 $0x4000, s31;
	s1 =	sadd.s32 s1, s30  }
0xc0: {  	s0 =	sor.u32 s3, s0;
	s1 =	sshll.u32 s1, $0x11  }
0xc1: {  	s0 =	sor.u32 s1, s0  }
0xc2: {  	s0 =	sadd.s32 $0x8F2B, s0  }
0xc3: {  	[sflag:s0] =	ssyncadd.remote.s32 $0x1  }
0xc4: {  	_ =	sfence.sel $0xFFFF  }
0xc5: {  	[dreg:$0x0] =	wrdreg $0xFFFFFFFF;
	(pc) =	sbr.abs _section_cstart, $3  }
0xc6: {  	[dreg:$0x1] =	wrdreg $0xFFFFFFFF  }
0xc7: {  	_ =	task.clear_ibuf [dreg:s7], $0x2FFFF;
	_ =	strace $0x9FFFFFFF  }
0xc8: {  	(tm) =	ssettm $0x7FFFFFFF  }
0xc9: {  	_ =	shalt  }
tec
execute0_lowered:
.L_overlay_start_1:
0x0: {  	(tag) =	ssettag $0x1  }
0x1: {  	s0 =	srdreg.scid  }
0x2: {  	s2 =	rddreg [dreg:$0x0];
	s3 =	stileid.u32  }
0x3: {  	s1 =	rddreg [dreg:$0x1];
	s11 =	simm.s32 $0x3;
	s13 =	simm.s32 $0x100  }
0x4: {  	s19 =	simm.s32 $0x3100;
	s20 =	simm.s32 $0x3900;
	s21 =	simm.s32 $0x4100  }
0x5: {  	s22 =	simm.s32 $0x4900;
	s23 =	simm.s32 $0x5100;
	s24 =	simm.s32 $0x5900  }
0x6: {  	s28 =	simm.s32 $0x7100;
	s29 =	simm.s32 $0x7900;
	s30 =	simm.s32 $0x1  }
0x7: {  	s31 =	simm.s32 $0x2;
	s0 =	sand.u32 $0x1, s0;
	s4 =	sshll.u32 s3, $0x5  }
0x8: {  	s3 =	simm.s32 $0x0;
	s6 =	sadd.s32 $0x100, s2;
	s7 =	sadd.s32 $0x200, s2  }
0x9: {  	s5 =	sshll.u32 s0, $0x4;
	[smem:$0x7FF] =	sst s3;
	s0 =	ssub.s32 $0x2, s0  }
0xa: {  	s8 =	sor.u32 s5, s4;
	_ =	strace $0x80000047;
	s26 =	sshrl.u32 s0, $0x1  }
0xb: {  	s4 =	sshrl.u32 s8, $0x3;
	s0 =	ssub.s32 s0, s26;
	s9 =	sshll.u32 s8, $0x7  }
0xc: {  	v2 =	vlaneseq.u32;
	s8 =	sadd.s32 $0x300, s2;
	s26 =	simm.s32 $0x6900;
	s25 =	sadd.s32 s4, s2  }
0xd: {  	vm0 =	vmmov $0xffff;
	v1 =	vshrl.u32 v2, $0x3;
	s9 =	sadd.s32 s1, s9;
	s10 =	smax.u32 s0, $0x1;
	s1 =	simm.s32 $0x0  }
0xe: {  	v0 =	vand.u32 $0x7, v2;
	v2 =	vor.u32 $0x8, v2;
	v1 =	vmul.u32 $0x8, v1;
	s4 =	sadd.s32 $0x60000, s25;
	s5 =	sadd.s32 $0x60200, s25;
	s25 =	simm.s32 $0x6100  }
.LBB2_1:
0xf: {  	[tilespmem:s3], [sflag:$0x3] =	stream.linear.gather [hbm4b:s4+s3], $0x10, $0x38;
	[tilespmem:$0x8100] =	vst v63  }
0x10: {  	_ =	swait.ge [sflag:s11], $0x10  }
0x11: {  	[sflag:s11] =	ssyncset.done $0x0  }
0x12: {  	s0 =	simm.s32 $0x80;
	[sflag:s11] =	ssyncadd.s32 $0xFFFFFFF0  }
0x13: {  	[tilespmem:s0], [sflag:$0x3] =	stream.linear.gather [hbm4b:s5+s3], $0x10, $0x38;
	[tilespmem:$0x8100] =	vst v63  }
0x14: {  	_ =	swait.ge [sflag:s11], $0x10  }
0x15: {  	[sflag:s11] =	ssyncset.done $0x0  }
0x16: {  	[sflag:s11] =	ssyncadd.s32 $0xFFFFFFF0  }
0x17: {  	v3 =	vld [tilespmem:$0x0];
	_ =	sdelay $0x4  }
0x18: {  	v4 =	vshll.u32 v3, $0x3  }
0x19: {  	v3 =	vand.u32 $0x7, v3;
	v4 =	vand.u32 $0xFFFFFFC0, v4  }
0x1a: {  	v3 =	vor.u32 v3, v4  }
0x1b: {  	v4 =	vperm.xlane v3, v0;
	_ =	sdelay $0x1  }
0x1c: {  	v4 =	vadd.s32 v1, v4;
	_ =	sdelay $0x4  }
0x1d: {  	[tilespmem:s13], [sflag:$0x1] =	stream.indirect_vreg.gather [hbm4b:s2+s3], $0x80, v4, vm0, $0xb8;
	[tilespmem:$0x8100] =	vst v63  }
0x1e: {  	s12 =	simm.s32 $0x900;
	v3 =	vperm.xlane v3, v2  }
0x1f: {  	[tilespmem:s12], [sflag:$0x1] =	stream.indirect_vreg.gather [hbm4b:s6+s3], $0x80, v4, vm0, $0xb8;
	[tilespmem:$0x8100] =	vst v63  }
0x20: {  	s14 =	simm.s32 $0x1100;
	v3 =	vadd.s32 v1, v3  }
0x21: {  	[tilespmem:s14], [sflag:$0x1] =	stream.indirect_vreg.gather [hbm4b:s7+s3], $0x80, v4, vm0, $0xb8;
	[tilespmem:$0x8100] =	vst v63  }
0x22: {  	s15 =	simm.s32 $0x1900  }
0x23: {  	[tilespmem:s15], [sflag:$0x1] =	stream.indirect_vreg.gather [hbm4b:s8+s3], $0x80, v4, vm0, $0xb8;
	[tilespmem:$0x8100] =	vst v63  }
0x24: {  	s16 =	simm.s32 $0x2100  }
0x25: {  	[tilespmem:s16], [sflag:$0x1] =	stream.indirect_vreg.gather [hbm4b:s2+s3], $0x80, v3, vm0, $0xb8;
	[tilespmem:$0x8100] =	vst v63  }
0x26: {  	s17 =	simm.s32 $0x2900  }
0x27: {  	[tilespmem:s17], [sflag:$0x1] =	stream.indirect_vreg.gather [hbm4b:s6+s3], $0x80, v3, vm0, $0xb8;
	[tilespmem:$0x8100] =	vst v63  }
0x28: {  	_ = 	snop  }
0x29: {  	[tilespmem:s19], [sflag:$0x1] =	stream.indirect_vreg.gather [hbm4b:s7+s3], $0x80, v3, vm0, $0xb8;
	[tilespmem:$0x8100] =	vst v63  }
0x2a: {  	_ = 	snop  }
0x2b: {  	[tilespmem:s20], [sflag:$0x1] =	stream.indirect_vreg.gather [hbm4b:s8+s3], $0x80, v3, vm0, $0xb8;
	[tilespmem:$0x8100] =	vst v63  }
0x2c: {  	v3 =	vld [tilespmem:$0x80];
	_ =	sdelay $0x4  }
0x2d: {  	v4 =	vshll.u32 v3, $0x3  }
0x2e: {  	v3 =	vand.u32 $0x7, v3;
	v4 =	vand.u32 $0xFFFFFFC0, v4  }
0x2f: {  	v3 =	vor.u32 v3, v4  }
0x30: {  	v4 =	vperm.xlane v3, v0;
	_ =	sdelay $0x1  }
0x31: {  	v4 =	vadd.s32 v1, v4;
	_ =	sdelay $0x4  }
0x32: {  	[tilespmem:s21], [sflag:$0x2] =	stream.indirect_vreg.gather [hbm4b:s2+s3], $0x80, v4, vm0, $0xb8;
	[tilespmem:$0x8100] =	vst v63  }
0x33: {  	v3 =	vperm.xlane v3, v2  }
0x34: {  	[tilespmem:s22], [sflag:$0x2] =	stream.indirect_vreg.gather [hbm4b:s6+s3], $0x80, v4, vm0, $0xb8;
	[tilespmem:$0x8100] =	vst v63  }
0x35: {  	v3 =	vadd.s32 v1, v3  }
0x36: {  	[tilespmem:s23], [sflag:$0x2] =	stream.indirect_vreg.gather [hbm4b:s7+s3], $0x80, v4, vm0, $0xb8;
	[tilespmem:$0x8100] =	vst v63  }
0x37: {  	_ = 	snop  }
0x38: {  	[tilespmem:s24], [sflag:$0x2] =	stream.indirect_vreg.gather [hbm4b:s8+s3], $0x80, v4, vm0, $0xb8;
	[tilespmem:$0x8100] =	vst v63  }
0x39: {  	_ = 	snop  }
0x3a: {  	[tilespmem:s25], [sflag:$0x2] =	stream.indirect_vreg.gather [hbm4b:s2+s3], $0x80, v3, vm0, $0xb8;
	[tilespmem:$0x8100] =	vst v63  }
0x3b: {  	_ = 	snop  }
0x3c: {  	[tilespmem:s26], [sflag:$0x2] =	stream.indirect_vreg.gather [hbm4b:s6+s3], $0x80, v3, vm0, $0xb8;
	[tilespmem:$0x8100] =	vst v63  }
0x3d: {  	_ = 	snop  }
0x3e: {  	[tilespmem:s28], [sflag:$0x2] =	stream.indirect_vreg.gather [hbm4b:s7+s3], $0x80, v3, vm0, $0xb8;
	[tilespmem:$0x8100] =	vst v63  }
0x3f: {  	_ = 	snop  }
0x40: {  	[tilespmem:s29], [sflag:$0x2] =	stream.indirect_vreg.gather [hbm4b:s8+s3], $0x80, v3, vm0, $0xb8;
	[tilespmem:$0x8100] =	vst v63  }
0x41: {  	_ =	swait.ge [sflag:s30], $0x4000  }
0x42: {  	[sflag:s30] =	ssyncset.done $0x0  }
0x43: {  	[sflag:s30] =	ssyncadd.s32 $0xFFFFC000  }
0x44: {  	_ =	swait.ge [sflag:s31], $0x4000  }
0x45: {  	s18 =	sand.u32 $0x70, s3;
	s12 =	sand.u32 $0x1C00, s3;
	[sflag:s31] =	ssyncset.done $0x0  }
0x46: {  	s0 =	sor.u32 s18, s12;
	[sflag:s31] =	ssyncadd.s32 $0xFFFFC000  }
0x47: {  	v3 =	vld [tilespmem:s0+$0x4100]  }
0x48: {  	v4 =	vld [tilespmem:s0+$0x100];
	_ =	sdelay $0x3  }
0x49: {  	s12 =	simm.s32 $0x80;
	s14 =	simm.s32 $0x10  }
0x4a: {  	s14 =	sand.u32 $0x70, s14;
	s15 =	sand.u32 $0x1C00, s12;
	v3 =	vadd.f32 v3, v4  }
0x4b: {  	s15 =	sor.u32 s14, s15;
	s14 =	simm.s32 $0x20  }
.LBB2_2:
0x4c: {  	p0 =	sne.s32 s14, $0x3F0;
	v4 =	vld [tilespmem:s15+$0x4100];
	[tilespmem:s0+$0x100] =	vst v3;
	s0 =	smov.u32 s15  }
0x4d: {  	v3 =	vld [tilespmem:s0+$0x100];
	_ =	sdelay $0x1  }
.Ltmp0:
0x4e: {  	(pc) =	sbr.rel @p0 .LBB2_2-.Ltmp0, $4  }
0x4f: {  	_ = 	snop  }
0x50: {  	s12 =	sadd.s32 $0x80, s12  }
0x51: {  	s15 =	sand.u32 $0x70, s14;
	s16 =	sand.u32 $0x1C00, s12;
	v3 =	vadd.f32 v4, v3  }
0x52: {  	s14 =	sadd.s32 $0x10, s14;
	s15 =	sor.u32 s15, s16  }
0x53: {  	v4 =	vld [tilespmem:s15+$0x4100];
	[tilespmem:s0+$0x100] =	vst v3  }
0x54: {  	v3 =	vld [tilespmem:s15+$0x100];
	_ =	sdelay $0x4  }
0x55: {  	s16 =	simm.s32 $0x0;
	v3 =	vadd.f32 v4, v3  }
0x56: {  	s12 =	sand.u32 $0x70, s16;
	s0 =	sand.u32 $0x1C00, s16  }
0x57: {  	s0 =	sor.u32 s0, s12;
	[tilespmem:s15+$0x100] =	vst v3  }
0x58: {  	v3 =	vld [tilespmem:s0+$0x4180]  }
0x59: {  	v4 =	vld [tilespmem:s0+$0x180];
	_ =	sdelay $0x3  }
0x5a: {  	s17 =	simm.s32 $0x10;
	s14 =	simm.s32 $0x80  }
0x5b: {  	s18 =	sand.u32 $0x1C00, s14;
	s12 =	sand.u32 $0x70, s17;
	v3 =	vadd.f32 v3, v4  }
0x5c: {  	s16 =	simm.s32 $0x20;
	s17 =	sor.u32 s18, s12;
	s15 =	smov.u32 s0  }
.LBB2_4:
0x5d: {  	p0 =	sne.s32 s16, $0x3F0;
	v4 =	vld [tilespmem:s17+$0x4180];
	[tilespmem:s15+$0x180] =	vst v3;
	s15 =	smov.u32 s17  }
0x5e: {  	v3 =	vld [tilespmem:s15+$0x180];
	_ =	sdelay $0x1  }
.Ltmp1:
0x5f: {  	(pc) =	sbr.rel @p0 .LBB2_4-.Ltmp1, $4  }
0x60: {  	_ = 	snop  }
0x61: {  	s14 =	sadd.s32 $0x80, s14  }
0x62: {  	s17 =	sand.u32 $0x70, s16;
	s18 =	sand.u32 $0x1C00, s14;
	v3 =	vadd.f32 v4, v3  }
0x63: {  	s16 =	sadd.s32 $0x10, s16;
	s17 =	sor.u32 s18, s17  }
0x64: {  	v4 =	vld [tilespmem:s17+$0x4180];
	[tilespmem:s15+$0x180] =	vst v3  }
0x65: {  	v3 =	vld [tilespmem:s17+$0x180];
	_ =	sdelay $0x4  }
0x66: {  	v3 =	vadd.f32 v4, v3;
	_ =	sdelay $0x1  }
0x67: {  	[tilespmem:s17+$0x180] =	vst v3  }
0x68: {  	v3 =	vld [tilespmem:s0+$0x4200]  }
0x69: {  	v4 =	vld [tilespmem:s0+$0x200];
	_ =	sdelay $0x3  }
0x6a: {  	s14 =	simm.s32 $0x80  }
0x6b: {  	s18 =	sand.u32 $0x1C00, s14;
	v3 =	vadd.f32 v3, v4  }
0x6c: {  	s15 =	sor.u32 s18, s12;
	s12 =	simm.s32 $0x20  }
.LBB2_6:
0x6d: {  	p0 =	sne.s32 s12, $0x3F0;
	v4 =	vld [tilespmem:s15+$0x4200];
	[tilespmem:s0+$0x200] =	vst v3;
	s0 =	smov.u32 s15  }
0x6e: {  	v3 =	vld [tilespmem:s0+$0x200];
	_ =	sdelay $0x1  }
.Ltmp2:
0x6f: {  	(pc) =	sbr.rel @p0 .LBB2_6-.Ltmp2, $4  }
0x70: {  	_ = 	snop  }
0x71: {  	s14 =	sadd.s32 $0x80, s14  }
0x72: {  	s15 =	sand.u32 $0x70, s12;
	s16 =	sand.u32 $0x1C00, s14;
	v3 =	vadd.f32 v4, v3  }
0x73: {  	s12 =	sadd.s32 $0x10, s12;
	s15 =	sor.u32 s16, s15  }
0x74: {  	v4 =	vld [tilespmem:s15+$0x4200];
	[tilespmem:s0+$0x200] =	vst v3  }
0x75: {  	v3 =	vld [tilespmem:s15+$0x200];
	_ =	sdelay $0x4  }
0x76: {  	s16 =	simm.s32 $0x0;
	v3 =	vadd.f32 v4, v3  }
0x77: {  	s12 =	sand.u32 $0x70, s16;
	s0 =	sand.u32 $0x1C00, s16  }
0x78: {  	s0 =	sor.u32 s0, s12;
	[tilespmem:s15+$0x200] =	vst v3  }
0x79: {  	v3 =	vld [tilespmem:s0+$0x4280]  }
0x7a: {  	v4 =	vld [tilespmem:s0+$0x280];
	_ =	sdelay $0x3  }
0x7b: {  	s17 =	simm.s32 $0x10;
	s14 =	simm.s32 $0x80  }
0x7c: {  	s18 =	sand.u32 $0x1C00, s14;
	s12 =	sand.u32 $0x70, s17;
	v3 =	vadd.f32 v3, v4  }
0x7d: {  	s16 =	simm.s32 $0x20;
	s17 =	sor.u32 s18, s12;
	s15 =	smov.u32 s0  }
.LBB2_8:
0x7e: {  	p0 =	sne.s32 s16, $0x3F0;
	v4 =	vld [tilespmem:s17+$0x4280];
	[tilespmem:s15+$0x280] =	vst v3;
	s15 =	smov.u32 s17  }
0x7f: {  	v3 =	vld [tilespmem:s15+$0x280];
	_ =	sdelay $0x1  }
.Ltmp3:
0x80: {  	(pc) =	sbr.rel @p0 .LBB2_8-.Ltmp3, $4  }
0x81: {  	_ = 	snop  }
0x82: {  	s14 =	sadd.s32 $0x80, s14  }
0x83: {  	s17 =	sand.u32 $0x70, s16;
	s18 =	sand.u32 $0x1C00, s14;
	v3 =	vadd.f32 v4, v3  }
0x84: {  	s16 =	sadd.s32 $0x10, s16;
	s17 =	sor.u32 s18, s17  }
0x85: {  	v4 =	vld [tilespmem:s17+$0x4280];
	[tilespmem:s15+$0x280] =	vst v3  }
0x86: {  	v3 =	vld [tilespmem:s17+$0x280];
	_ =	sdelay $0x4  }
0x87: {  	v3 =	vadd.f32 v4, v3;
	_ =	sdelay $0x1  }
0x88: {  	[tilespmem:s17+$0x280] =	vst v3  }
0x89: {  	v3 =	vld [tilespmem:s0+$0x4300]  }
0x8a: {  	v4 =	vld [tilespmem:s0+$0x300];
	_ =	sdelay $0x3  }
0x8b: {  	s14 =	simm.s32 $0x80  }
0x8c: {  	s18 =	sand.u32 $0x1C00, s14;
	v3 =	vadd.f32 v3, v4  }
0x8d: {  	s15 =	sor.u32 s18, s12;
	s12 =	simm.s32 $0x20  }
.LBB2_10:
0x8e: {  	p0 =	sne.s32 s12, $0x3F0;
	v4 =	vld [tilespmem:s15+$0x4300];
	[tilespmem:s0+$0x300] =	vst v3;
	s0 =	smov.u32 s15  }
0x8f: {  	v3 =	vld [tilespmem:s0+$0x300];
	_ =	sdelay $0x1  }
.Ltmp4:
0x90: {  	(pc) =	sbr.rel @p0 .LBB2_10-.Ltmp4, $4  }
0x91: {  	_ = 	snop  }
0x92: {  	s14 =	sadd.s32 $0x80, s14  }
0x93: {  	s15 =	sand.u32 $0x70, s12;
	s16 =	sand.u32 $0x1C00, s14;
	v3 =	vadd.f32 v4, v3  }
0x94: {  	s12 =	sadd.s32 $0x10, s12;
	s15 =	sor.u32 s16, s15  }
0x95: {  	v4 =	vld [tilespmem:s15+$0x4300];
	[tilespmem:s0+$0x300] =	vst v3  }
0x96: {  	v3 =	vld [tilespmem:s15+$0x300];
	_ =	sdelay $0x4  }
0x97: {  	s16 =	simm.s32 $0x0;
	v3 =	vadd.f32 v4, v3  }
0x98: {  	s12 =	sand.u32 $0x70, s16;
	s0 =	sand.u32 $0x1C00, s16  }
0x99: {  	s0 =	sor.u32 s0, s12;
	[tilespmem:s15+$0x300] =	vst v3  }
0x9a: {  	v3 =	vld [tilespmem:s0+$0x4380]  }
0x9b: {  	v4 =	vld [tilespmem:s0+$0x380];
	_ =	sdelay $0x3  }
0x9c: {  	s17 =	simm.s32 $0x10;
	s14 =	simm.s32 $0x80  }
0x9d: {  	s18 =	sand.u32 $0x1C00, s14;
	s12 =	sand.u32 $0x70, s17;
	v3 =	vadd.f32 v3, v4  }
0x9e: {  	s16 =	simm.s32 $0x20;
	s17 =	sor.u32 s18, s12;
	s15 =	smov.u32 s0  }
.LBB2_12:
0x9f: {  	p0 =	sne.s32 s16, $0x3F0;
	v4 =	vld [tilespmem:s17+$0x4380];
	[tilespmem:s15+$0x380] =	vst v3;
	s15 =	smov.u32 s17  }
0xa0: {  	v3 =	vld [tilespmem:s15+$0x380];
	_ =	sdelay $0x1  }
.Ltmp5:
0xa1: {  	(pc) =	sbr.rel @p0 .LBB2_12-.Ltmp5, $4  }
0xa2: {  	_ = 	snop  }
0xa3: {  	s14 =	sadd.s32 $0x80, s14  }
0xa4: {  	s17 =	sand.u32 $0x70, s16;
	s18 =	sand.u32 $0x1C00, s14;
	v3 =	vadd.f32 v4, v3  }
0xa5: {  	s16 =	sadd.s32 $0x10, s16;
	s17 =	sor.u32 s18, s17  }
0xa6: {  	v4 =	vld [tilespmem:s17+$0x4380];
	[tilespmem:s15+$0x380] =	vst v3  }
0xa7: {  	v3 =	vld [tilespmem:s17+$0x380];
	_ =	sdelay $0x4  }
0xa8: {  	v3 =	vadd.f32 v4, v3;
	_ =	sdelay $0x1  }
0xa9: {  	[tilespmem:s17+$0x380] =	vst v3  }
0xaa: {  	v3 =	vld [tilespmem:s0+$0x4400]  }
0xab: {  	v4 =	vld [tilespmem:s0+$0x400];
	_ =	sdelay $0x3  }
0xac: {  	s14 =	simm.s32 $0x80  }
0xad: {  	s18 =	sand.u32 $0x1C00, s14;
	v3 =	vadd.f32 v3, v4  }
0xae: {  	s15 =	sor.u32 s18, s12;
	s12 =	simm.s32 $0x20  }
.LBB2_14:
0xaf: {  	p0 =	sne.s32 s12, $0x3F0;
	v4 =	vld [tilespmem:s15+$0x4400];
	[tilespmem:s0+$0x400] =	vst v3;
	s0 =	smov.u32 s15  }
0xb0: {  	v3 =	vld [tilespmem:s0+$0x400];
	_ =	sdelay $0x1  }
.Ltmp6:
0xb1: {  	(pc) =	sbr.rel @p0 .LBB2_14-.Ltmp6, $4  }
0xb2: {  	_ = 	snop  }
0xb3: {  	s14 =	sadd.s32 $0x80, s14  }
0xb4: {  	s15 =	sand.u32 $0x70, s12;
	s16 =	sand.u32 $0x1C00, s14;
	v3 =	vadd.f32 v4, v3  }
0xb5: {  	s12 =	sadd.s32 $0x10, s12;
	s15 =	sor.u32 s16, s15  }
0xb6: {  	v4 =	vld [tilespmem:s15+$0x4400];
	[tilespmem:s0+$0x400] =	vst v3  }
0xb7: {  	v3 =	vld [tilespmem:s15+$0x400];
	_ =	sdelay $0x4  }
0xb8: {  	s0 =	simm.s32 $0x0;
	v3 =	vadd.f32 v4, v3  }
0xb9: {  	s12 =	sor.u32 s0, s0  }
0xba: {  	s14 =	sor.u32 $0x380, s12;
	[tilespmem:s15+$0x400] =	vst v3  }
0xbb: {  	v3 =	vld [tilespmem:s14+$0x4100]  }
0xbc: {  	v4 =	vld [tilespmem:s14+$0x100];
	_ =	sdelay $0x3  }
0xbd: {  	s12 =	simm.s32 $0x10;
	s15 =	simm.s32 $0x80  }
0xbe: {  	s16 =	sor.u32 s15, s12;
	v3 =	vadd.f32 v3, v4  }
0xbf: {  	s17 =	sor.u32 $0x380, s16;
	s16 =	simm.s32 $0x20  }
.LBB2_16:
0xc0: {  	p0 =	sne.s32 s16, $0x3F0;
	v4 =	vld [tilespmem:s17+$0x4100];
	[tilespmem:s14+$0x100] =	vst v3;
	s14 =	smov.u32 s17  }
0xc1: {  	v3 =	vld [tilespmem:s14+$0x100];
	_ =	sdelay $0x1  }
.Ltmp7:
0xc2: {  	(pc) =	sbr.rel @p0 .LBB2_16-.Ltmp7, $4  }
0xc3: {  	_ = 	snop  }
0xc4: {  	s15 =	sadd.s32 $0x80, s15  }
0xc5: {  	s17 =	sor.u32 s15, s16;
	v3 =	vadd.f32 v4, v3  }
0xc6: {  	s16 =	sadd.s32 $0x10, s16;
	s17 =	sor.u32 $0x380, s17  }
0xc7: {  	v4 =	vld [tilespmem:s17+$0x4100];
	[tilespmem:s14+$0x100] =	vst v3  }
0xc8: {  	v3 =	vld [tilespmem:s17+$0x100];
	_ =	sdelay $0x4  }
0xc9: {  	v3 =	vadd.f32 v4, v3  }
0xca: {  	s16 =	sand.u32 $0x70, s0;
	s18 =	sand.u32 $0x1C00, s0  }
0xcb: {  	s0 =	sor.u32 s18, s16;
	[tilespmem:s17+$0x100] =	vst v3  }
0xcc: {  	v3 =	vld [tilespmem:s0+$0x6100]  }
0xcd: {  	v4 =	vld [tilespmem:s0+$0x2100];
	_ =	sdelay $0x3  }
0xce: {  	s14 =	simm.s32 $0x80  }
0xcf: {  	s12 =	sand.u32 $0x70, s12;
	s15 =	sand.u32 $0x1C00, s14;
	v3 =	vadd.f32 v3, v4  }
0xd0: {  	s15 =	sor.u32 s15, s12;
	s12 =	simm.s32 $0x20  }
.LBB2_18:
0xd1: {  	p0 =	sne.s32 s12, $0x3F0;
	v4 =	vld [tilespmem:s15+$0x6100];
	[tilespmem:s0+$0x2100] =	vst v3;
	s0 =	smov.u32 s15  }
0xd2: {  	v3 =	vld [tilespmem:s0+$0x2100];
	_ =	sdelay $0x1  }
.Ltmp8:
0xd3: {  	(pc) =	sbr.rel @p0 .LBB2_18-.Ltmp8, $4  }
0xd4: {  	_ = 	snop  }
0xd5: {  	s14 =	sadd.s32 $0x80, s14  }
0xd6: {  	s15 =	sand.u32 $0x70, s12;
	s16 =	sand.u32 $0x1C00, s14;
	v3 =	vadd.f32 v4, v3  }
0xd7: {  	s12 =	sadd.s32 $0x10, s12;
	s15 =	sor.u32 s16, s15  }
0xd8: {  	v4 =	vld [tilespmem:s15+$0x6100];
	[tilespmem:s0+$0x2100] =	vst v3  }
0xd9: {  	v3 =	vld [tilespmem:s15+$0x2100];
	_ =	sdelay $0x4  }
0xda: {  	s16 =	simm.s32 $0x0;
	v3 =	vadd.f32 v4, v3  }
0xdb: {  	s12 =	sand.u32 $0x70, s16;
	s0 =	sand.u32 $0x1C00, s16  }
0xdc: {  	s0 =	sor.u32 s0, s12;
	[tilespmem:s15+$0x2100] =	vst v3  }
0xdd: {  	v3 =	vld [tilespmem:s0+$0x6180]  }
0xde: {  	v4 =	vld [tilespmem:s0+$0x2180];
	_ =	sdelay $0x3  }
0xdf: {  	s17 =	simm.s32 $0x10;
	s14 =	simm.s32 $0x80  }
0xe0: {  	s18 =	sand.u32 $0x1C00, s14;
	s12 =	sand.u32 $0x70, s17;
	v3 =	vadd.f32 v3, v4  }
0xe1: {  	s16 =	simm.s32 $0x20;
	s17 =	sor.u32 s18, s12;
	s15 =	smov.u32 s0  }
.LBB2_20:
0xe2: {  	p0 =	sne.s32 s16, $0x3F0;
	v4 =	vld [tilespmem:s17+$0x6180];
	[tilespmem:s15+$0x2180] =	vst v3;
	s15 =	smov.u32 s17  }
0xe3: {  	v3 =	vld [tilespmem:s15+$0x2180];
	_ =	sdelay $0x1  }
.Ltmp9:
0xe4: {  	(pc) =	sbr.rel @p0 .LBB2_20-.Ltmp9, $4  }
0xe5: {  	_ = 	snop  }
0xe6: {  	s14 =	sadd.s32 $0x80, s14  }
0xe7: {  	s17 =	sand.u32 $0x70, s16;
	s18 =	sand.u32 $0x1C00, s14;
	v3 =	vadd.f32 v4, v3  }
0xe8: {  	s16 =	sadd.s32 $0x10, s16;
	s17 =	sor.u32 s18, s17  }
0xe9: {  	v4 =	vld [tilespmem:s17+$0x6180];
	[tilespmem:s15+$0x2180] =	vst v3  }
0xea: {  	v3 =	vld [tilespmem:s17+$0x2180];
	_ =	sdelay $0x4  }
0xeb: {  	v3 =	vadd.f32 v4, v3;
	_ =	sdelay $0x1  }
0xec: {  	[tilespmem:s17+$0x2180] =	vst v3  }
0xed: {  	v3 =	vld [tilespmem:s0+$0x6200]  }
0xee: {  	v4 =	vld [tilespmem:s0+$0x2200];
	_ =	sdelay $0x3  }
0xef: {  	s14 =	simm.s32 $0x80  }
0xf0: {  	s18 =	sand.u32 $0x1C00, s14;
	v3 =	vadd.f32 v3, v4  }
0xf1: {  	s15 =	sor.u32 s18, s12;
	s12 =	simm.s32 $0x20  }
.LBB2_22:
0xf2: {  	p0 =	sne.s32 s12, $0x3F0;
	v4 =	vld [tilespmem:s15+$0x6200];
	[tilespmem:s0+$0x2200] =	vst v3;
	s0 =	smov.u32 s15  }
0xf3: {  	v3 =	vld [tilespmem:s0+$0x2200];
	_ =	sdelay $0x1  }
.Ltmp10:
0xf4: {  	(pc) =	sbr.rel @p0 .LBB2_22-.Ltmp10, $4  }
0xf5: {  	_ = 	snop  }
0xf6: {  	s14 =	sadd.s32 $0x80, s14  }
0xf7: {  	s15 =	sand.u32 $0x70, s12;
	s16 =	sand.u32 $0x1C00, s14;
	v3 =	vadd.f32 v4, v3  }
0xf8: {  	s12 =	sadd.s32 $0x10, s12;
	s15 =	sor.u32 s16, s15  }
0xf9: {  	v4 =	vld [tilespmem:s15+$0x6200];
	[tilespmem:s0+$0x2200] =	vst v3  }
0xfa: {  	v3 =	vld [tilespmem:s15+$0x2200];
	_ =	sdelay $0x4  }
0xfb: {  	s16 =	simm.s32 $0x0;
	v3 =	vadd.f32 v4, v3  }
0xfc: {  	s12 =	sand.u32 $0x70, s16;
	s0 =	sand.u32 $0x1C00, s16  }
0xfd: {  	s0 =	sor.u32 s0, s12;
	[tilespmem:s15+$0x2200] =	vst v3  }
0xfe: {  	v3 =	vld [tilespmem:s0+$0x6280]  }
0xff: {  	v4 =	vld [tilespmem:s0+$0x2280];
	_ =	sdelay $0x3  }
0x100: {  	s17 =	simm.s32 $0x10;
	s14 =	simm.s32 $0x80  }
0x101: {  	s18 =	sand.u32 $0x1C00, s14;
	s12 =	sand.u32 $0x70, s17;
	v3 =	vadd.f32 v3, v4  }
0x102: {  	s16 =	simm.s32 $0x20;
	s17 =	sor.u32 s18, s12;
	s15 =	smov.u32 s0  }
.LBB2_24:
0x103: {  	p0 =	sne.s32 s16, $0x3F0;
	v4 =	vld [tilespmem:s17+$0x6280];
	[tilespmem:s15+$0x2280] =	vst v3;
	s15 =	smov.u32 s17  }
0x104: {  	v3 =	vld [tilespmem:s15+$0x2280];
	_ =	sdelay $0x1  }
.Ltmp11:
0x105: {  	(pc) =	sbr.rel @p0 .LBB2_24-.Ltmp11, $4  }
0x106: {  	_ = 	snop  }
0x107: {  	s14 =	sadd.s32 $0x80, s14  }
0x108: {  	s17 =	sand.u32 $0x70, s16;
	s18 =	sand.u32 $0x1C00, s14;
	v3 =	vadd.f32 v4, v3  }
0x109: {  	s16 =	sadd.s32 $0x10, s16;
	s17 =	sor.u32 s18, s17  }
0x10a: {  	v4 =	vld [tilespmem:s17+$0x6280];
	[tilespmem:s15+$0x2280] =	vst v3  }
0x10b: {  	v3 =	vld [tilespmem:s17+$0x2280];
	_ =	sdelay $0x4  }
0x10c: {  	v3 =	vadd.f32 v4, v3;
	_ =	sdelay $0x1  }
0x10d: {  	[tilespmem:s17+$0x2280] =	vst v3  }
0x10e: {  	v3 =	vld [tilespmem:s0+$0x6300]  }
0x10f: {  	v4 =	vld [tilespmem:s0+$0x2300];
	_ =	sdelay $0x3  }
0x110: {  	s14 =	simm.s32 $0x80  }
0x111: {  	s18 =	sand.u32 $0x1C00, s14;
	v3 =	vadd.f32 v3, v4  }
0x112: {  	s15 =	sor.u32 s18, s12;
	s12 =	simm.s32 $0x20  }
.LBB2_26:
0x113: {  	p0 =	sne.s32 s12, $0x3F0;
	v4 =	vld [tilespmem:s15+$0x6300];
	[tilespmem:s0+$0x2300] =	vst v3;
	s0 =	smov.u32 s15  }
0x114: {  	v3 =	vld [tilespmem:s0+$0x2300];
	_ =	sdelay $0x1  }
.Ltmp12:
0x115: {  	(pc) =	sbr.rel @p0 .LBB2_26-.Ltmp12, $4  }
0x116: {  	_ = 	snop  }
0x117: {  	s14 =	sadd.s32 $0x80, s14  }
0x118: {  	s15 =	sand.u32 $0x70, s12;
	s16 =	sand.u32 $0x1C00, s14;
	v3 =	vadd.f32 v4, v3  }
0x119: {  	s12 =	sadd.s32 $0x10, s12;
	s15 =	sor.u32 s16, s15  }
0x11a: {  	v4 =	vld [tilespmem:s15+$0x6300];
	[tilespmem:s0+$0x2300] =	vst v3  }
0x11b: {  	v3 =	vld [tilespmem:s15+$0x2300];
	_ =	sdelay $0x4  }
0x11c: {  	s16 =	simm.s32 $0x0;
	v3 =	vadd.f32 v4, v3  }
0x11d: {  	s12 =	sand.u32 $0x70, s16;
	s0 =	sand.u32 $0x1C00, s16  }
0x11e: {  	s0 =	sor.u32 s0, s12;
	[tilespmem:s15+$0x2300] =	vst v3  }
0x11f: {  	v3 =	vld [tilespmem:s0+$0x6380]  }
0x120: {  	v4 =	vld [tilespmem:s0+$0x2380];
	_ =	sdelay $0x3  }
0x121: {  	s17 =	simm.s32 $0x10;
	s14 =	simm.s32 $0x80  }
0x122: {  	s18 =	sand.u32 $0x1C00, s14;
	s12 =	sand.u32 $0x70, s17;
	v3 =	vadd.f32 v3, v4  }
0x123: {  	s16 =	simm.s32 $0x20;
	s17 =	sor.u32 s18, s12;
	s15 =	smov.u32 s0  }
.LBB2_28:
0x124: {  	p0 =	sne.s32 s16, $0x3F0;
	v4 =	vld [tilespmem:s17+$0x6380];
	[tilespmem:s15+$0x2380] =	vst v3;
	s15 =	smov.u32 s17  }
0x125: {  	v3 =	vld [tilespmem:s15+$0x2380];
	_ =	sdelay $0x1  }
.Ltmp13:
0x126: {  	(pc) =	sbr.rel @p0 .LBB2_28-.Ltmp13, $4  }
0x127: {  	_ = 	snop  }
0x128: {  	s14 =	sadd.s32 $0x80, s14  }
0x129: {  	s17 =	sand.u32 $0x70, s16;
	s18 =	sand.u32 $0x1C00, s14;
	v3 =	vadd.f32 v4, v3  }
0x12a: {  	s16 =	sadd.s32 $0x10, s16;
	s17 =	sor.u32 s18, s17  }
0x12b: {  	v4 =	vld [tilespmem:s17+$0x6380];
	[tilespmem:s15+$0x2380] =	vst v3  }
0x12c: {  	v3 =	vld [tilespmem:s17+$0x2380];
	_ =	sdelay $0x4  }
0x12d: {  	v3 =	vadd.f32 v4, v3;
	_ =	sdelay $0x1  }
0x12e: {  	[tilespmem:s17+$0x2380] =	vst v3  }
0x12f: {  	v3 =	vld [tilespmem:s0+$0x6400]  }
0x130: {  	v4 =	vld [tilespmem:s0+$0x2400];
	_ =	sdelay $0x3  }
0x131: {  	s14 =	simm.s32 $0x80  }
0x132: {  	s18 =	sand.u32 $0x1C00, s14;
	v3 =	vadd.f32 v3, v4  }
0x133: {  	s15 =	sor.u32 s18, s12;
	s12 =	simm.s32 $0x20  }
.LBB2_30:
0x134: {  	p0 =	sne.s32 s12, $0x3F0;
	v4 =	vld [tilespmem:s15+$0x6400];
	[tilespmem:s0+$0x2400] =	vst v3;
	s0 =	smov.u32 s15  }
0x135: {  	v3 =	vld [tilespmem:s0+$0x2400];
	_ =	sdelay $0x1  }
.Ltmp14:
0x136: {  	(pc) =	sbr.rel @p0 .LBB2_30-.Ltmp14, $4  }
0x137: {  	_ = 	snop  }
0x138: {  	s14 =	sadd.s32 $0x80, s14  }
0x139: {  	s15 =	sand.u32 $0x70, s12;
	s16 =	sand.u32 $0x1C00, s14;
	v3 =	vadd.f32 v4, v3  }
0x13a: {  	s12 =	sadd.s32 $0x10, s12;
	s15 =	sor.u32 s16, s15  }
0x13b: {  	v4 =	vld [tilespmem:s15+$0x6400];
	[tilespmem:s0+$0x2400] =	vst v3  }
0x13c: {  	v3 =	vld [tilespmem:s15+$0x2400];
	_ =	sdelay $0x4  }
0x13d: {  	s18 =	simm.s32 $0x0;
	v3 =	vadd.f32 v4, v3  }
0x13e: {  	s0 =	sor.u32 s18, s18  }
0x13f: {  	s0 =	sor.u32 $0x2380, s0;
	[tilespmem:s15+$0x2400] =	vst v3  }
0x140: {  	v3 =	vld [tilespmem:s0+$0x4100]  }
0x141: {  	v4 =	vld [tilespmem:s0+$0x100];
	_ =	sdelay $0x3  }
0x142: {  	s14 =	simm.s32 $0x10;
	s12 =	simm.s32 $0x80  }
0x143: {  	s14 =	sor.u32 s12, s14;
	v3 =	vadd.f32 v3, v4  }
0x144: {  	s15 =	sor.u32 $0x2380, s14;
	s14 =	simm.s32 $0x20  }
.LBB2_32:
0x145: {  	p0 =	sne.s32 s14, $0x3F0;
	v4 =	vld [tilespmem:s15+$0x4100];
	[tilespmem:s0+$0x100] =	vst v3;
	s0 =	smov.u32 s15  }
0x146: {  	v3 =	vld [tilespmem:s0+$0x100];
	_ =	sdelay $0x1  }
.Ltmp15:
0x147: {  	(pc) =	sbr.rel @p0 .LBB2_32-.Ltmp15, $4  }
0x148: {  	_ = 	snop  }
0x149: {  	s12 =	sadd.s32 $0x80, s12  }
0x14a: {  	s15 =	sor.u32 s12, s14;
	v3 =	vadd.f32 v4, v3  }
0x14b: {  	s14 =	sadd.s32 $0x10, s14;
	s15 =	sor.u32 $0x2380, s15  }
0x14c: {  	v4 =	vld [tilespmem:s15+$0x4100];
	[tilespmem:s0+$0x100] =	vst v3  }
0x14d: {  	v3 =	vld [tilespmem:s15+$0x100];
	_ =	sdelay $0x4  }
0x14e: {  	s1 =	sadd.s32 $0x1, s1;
	v3 =	vadd.f32 v4, v3  }
0x14f: {  	p0 =	sne.s32 s1, s10  }
.Ltmp16:
0x150: {  	[tilespmem:s15+$0x100] =	vst v3;
	(pc) =	sbr.rel @p0 .LBB2_1-.Ltmp16, $4  }
0x151: {  	[hbm4b:s9+s3] =	stream.linear.scatter [tilespmem:s13], [sflag:$0x3], $0x4000, $0x38;
	[tilespmem:$0x8100] =	vst v63  }
0x152: {  	_ =	swait.ge [sflag:s11], $0x4000  }
0x153: {  	[sflag:s11] =	ssyncset.done $0x0  }
0x154: {  	[sflag:s11] =	ssyncadd.s32 $0xFFFFC000  }
0x155: {  	_ =	sfence.sel $0x180000  }
0x156: {  	[bflag:$0x0] =	sbarrier.arrive $0xFFFF  }
0x157: {  	_ =	strace $0x90000047  }
0x158: {  	s0 =	stileid.u32;
	[bflag:$0x2] =	sbarrier.arrive $0xFFFF  }
0x159: {  	p0 =	sne.s32 s0, $0x0;
	s0 =	rddreg [dreg:$0x2]  }
0x15a: {  	s0 =	sadd.s32 @!p0 $0x100000, s0  }
0x15b: {  	[sflag:s0] =	ssyncadd.tile.s32 @!p0 $0x1;
	_ =	shalt  }
.Lfunc_end2:
_tile_overlayer_lowered:
.L_overlay_start_2:
0x15c: {  	(tag) =	ssettag $0x2  }
0x15d: {  	s0 =	rddreg [dreg:$0x0];
	s2 =	stileid.u32  }
0x15e: {  	s1 =	rddreg [dreg:$0x1];
	p0 =	sne.s32 s2, $0x0  }
0x15f: {  	s3 =	rddreg [dreg:$0x2];
	[bflag:$0x3] =	sbarrier.arrive $0xFFFF;
	s2 =	simm.s32 @!p0 $0x1C03  }
0x160: {  	[timem:s3], [sflag:s2] =	dma.local @!p0 [hbm:s0], s1  }
0x161: {  	s0 =	simm.s32 @!p0 $0x3  }
0x162: {  	_ =	swait.ge @!p0 [sflag:s0], s1  }
0x163: {  	s1 =	ssub.s32 @!p0 $0x0, s1;
	[sflag:s0] =	ssyncset.done @!p0 $0x0  }
0x164: {  	[sflag:s0] =	ssyncadd.s32 @!p0 s1  }
0x165: {  	[bflag:$0x3] =	sbarrier.arrive $0xFFFF  }
0x166: {  	_ =	shalt  }

</sc_bundles>
